<compile_context>
chip_gen: v7x
topology: tpu7x:2x2x1
jax: 0.10.2.dev20260603
libtpu: 0.0.44.dev20260713+nightly
codegen_flags: <defaults>
</compile_context>

<pallas_src>
import functools

import jax
import jax.numpy as jnp
import numpy as np
from jax import lax
from jax.experimental import pallas as pl
from jax.experimental.pallas import tpu as pltpu
from jax.experimental.pallas import tpu_sc as plsc

V_J, V_S, D = 100000, 100000, 128
B, L = 1024, 20

_NC, _NS = 2, 16
_NW = _NC * _NS
_BW = B // _NW
_RW = _BW * L
_ICH = _RW // 128

_NB = 8192

_DST3 = ((np.arange(_NW, dtype=np.int32) // _NC)[:, None] * _BW +
         (np.arange(_RW, dtype=np.int32) // L)[None, :]).reshape(
             _NW, _ICH, 128)
_ZERO32 = np.zeros((_BW, D), np.float32)

_TEMP_INV = 1.0 / 0.1
_POOL_INV = 1.0 / L
_SCALE = _TEMP_INV * _POOL_INV
_LOG2E = 1.4426950408889634
_SCALE2 = _SCALE * _LOG2E
_EPS = 1e-9


def _sc_body(es_hbm, ej_hbm, us_hbm, uj_hbm, dst_hbm, zero_hbm,
             pooled_hbm, jt_hbm,
             idx_v, dst_v, rows_v, idxj_v, jrows_v, sem, semj, sema, spmem):
    sub = lax.axis_index("subcore")
    wid = sub * _NC + lax.axis_index("core")
    slot = pl.ds(sub * _BW, _BW)
    pltpu.sync_copy(us_hbm.at[wid], idx_v)
    pltpu.sync_copy(dst_hbm.at[wid], dst_v)
    pltpu.sync_copy(uj_hbm.at[wid], idxj_v)
    pltpu.sync_copy(zero_hbm, spmem.at[slot])
    gathers = [
        pltpu.async_copy(es_hbm.at[idx_v.at[k]],
                         rows_v.at[pl.ds(k * 128, 128)], sem)
        for k in range(_ICH)
    ]
    jcopy = pltpu.async_copy(ej_hbm.at[idxj_v], jrows_v, semj)
    adds = []
    for k in range(_ICH):
        gathers[k].wait()
        adds.append(
            pltpu.async_copy(rows_v.at[pl.ds(k * 128, 128)],
                             spmem.at[dst_v.at[k]], sema, add=True))
    for c in adds:
        c.wait()
    out = pl.ds(wid * _BW, _BW)
    pltpu.sync_copy(spmem.at[slot], pooled_hbm.at[out])
    jcopy.wait()
    pltpu.sync_copy(jrows_v, jt_hbm.at[out])


@functools.cache
def _sc_pool_gather():
    mesh = plsc.VectorSubcoreMesh(
        core_axis_name="core", subcore_axis_name="subcore",
        num_cores=_NC, num_subcores=_NS)
    return pl.kernel(
        _sc_body,
        mesh=mesh,
        out_type=[
            jax.ShapeDtypeStruct((B, D), jnp.float32),
            jax.ShapeDtypeStruct((B, D), jnp.float32),
        ],
        scratch_types=[
            pltpu.VMEM((_ICH, 128), jnp.int32),
            pltpu.VMEM((_ICH, 128), jnp.int32),
            pltpu.VMEM((_RW, D), jnp.float32),
            pltpu.VMEM((_BW,), jnp.int32),
            pltpu.VMEM((_BW, D), jnp.float32),
            pltpu.SemaphoreType.DMA,
            pltpu.SemaphoreType.DMA,
            pltpu.SemaphoreType.DMA,
            pltpu.VMEM_SHARED((_NS * _BW, D), jnp.float32),
        ],
    )


_NBF = V_J // _NB
_TBLK = 2048
_TVALID = V_J - _NBF * _NB


def _tc_main_body(ej_ref, p_ref, out_ref, pb_ref):
    i = pl.program_id(0)

    @pl.when(i == 0)
    def _():
        pb_ref[...] = (p_ref[...] * _SCALE2).astype(jnp.float8_e5m2)
        out_ref[...] = jnp.zeros_like(out_ref)

    eb = ej_ref[...].astype(jnp.float8_e5m2)
    zs = lax.dot_general(pb_ref[...], eb, (((1,), (1,)), ((), ())),
                         preferred_element_type=jnp.float32)
    e = jnp.exp2(zs.astype(jnp.bfloat16))
    chunks = [e[:, k * 128:(k + 1) * 128] for k in range(_NB // 128)]
    while len(chunks) > 1:
        chunks = [chunks[j] + chunks[j + 1] for j in range(0, len(chunks), 2)]
    out_ref[...] += chunks[0].astype(jnp.float32)


def _tc_fin_body(ej_ref, acc_ref, p_ref, jt_ref, out_ref):
    pb = (p_ref[...] * _SCALE2).astype(jnp.bfloat16)
    eb = ej_ref[...].astype(jnp.bfloat16)
    z = lax.dot_general(pb, eb, (((1,), (1,)), ((), ())),
                        preferred_element_type=jnp.float32)
    mask = lax.broadcasted_iota(jnp.int32, z.shape, 1) < _TVALID
    e = jnp.where(mask, jnp.exp2(z), 0.0)
    s = e[:, 0:128]
    for k in range(1, _TBLK // 128):
        s = s + e[:, k * 128:(k + 1) * 128]
    zden = jnp.sum(acc_ref[...] + s, axis=1, keepdims=True)
    zt = _SCALE2 * jnp.sum(p_ref[...] * jt_ref[...], axis=1, keepdims=True)
    lv = jnp.log(zden) - jnp.log(jnp.exp2(zt) + _EPS * zden)
    out_ref[0, 0] = jnp.sum(lv) * (1.0 / B)


def _tc_loss(E_j, pooled_sum, jt):
    acc = pl.pallas_call(
        _tc_main_body,
        grid=(_NBF,),
        in_specs=[
            pl.BlockSpec((_NB, D), lambda i: (i, 0)),
            pl.BlockSpec((B, D), lambda i: (0, 0)),
        ],
        out_specs=pl.BlockSpec((B, D), lambda i: (0, 0)),
        out_shape=jax.ShapeDtypeStruct((B, D), jnp.float32),
        scratch_shapes=[pltpu.VMEM((B, D), jnp.float8_e5m2)],
    )(E_j, pooled_sum)
    return pl.pallas_call(
        _tc_fin_body,
        grid=(1,),
        in_specs=[
            pl.BlockSpec((_TBLK, D), lambda i: (V_J // _TBLK - 1, 0)),
            pl.BlockSpec((B, D), lambda i: (0, 0)),
            pl.BlockSpec((B, D), lambda i: (0, 0)),
            pl.BlockSpec((B, D), lambda i: (0, 0)),
        ],
        out_specs=pl.BlockSpec(memory_space=pltpu.SMEM),
        out_shape=jax.ShapeDtypeStruct((1, 1), jnp.float32),
    )(E_j, acc, pooled_sum, jt)


def kernel(E_j, E_s, user_jobs, user_skills):
    us3 = user_skills.reshape(_NW, _ICH, 128)
    uj2 = user_jobs.reshape(_NW, _BW)
    pooled_sum, jt = _sc_pool_gather()(E_s, E_j, us3, uj2, _DST3, _ZERO32)
    return _tc_loss(E_j, pooled_sum, jt)[0, 0]

# --- scband reference (transcript-rebuilt; emitter-appended) ---
"""Pipeline reference for scband-top-hi-cl-matching-9612136808769 (READ-ONLY COPY).

The authoritative reference and input builder live on the scoring server;
editing this copy changes nothing except your own understanding.
"""

import jax, jax.numpy as jnp
import numpy as np

V_J, V_S, D = 100000, 100000, 128
B, L = 1024, 20

def setup_inputs(seed: int = 0) -> dict:
    key = jax.random.key(seed)
    k1, k2, k3, k4 = jax.random.split(key, 4)
    E_j = jax.random.normal(k1, (V_J, D), dtype=jnp.float32) * 0.02
    E_s = jax.random.normal(k2, (V_S, D), dtype=jnp.float32) * 0.02
    user_jobs = jax.random.randint(k3, (B,), 0, V_J, dtype=jnp.int32)
    user_skills = jax.random.randint(k4, (B, L), 0, V_S, dtype=jnp.int32)
    return {"E_j": E_j, "E_s": E_s, "user_jobs": user_jobs, "user_skills": user_skills}

def reference(E_j, E_s, user_jobs, user_skills):
    # metric='avg' -> MeanPooling over each user's skill embeddings (dim=0 of [L, D])
    skill_embs = jnp.take(E_s, user_skills, axis=0)           # [B, L, D] gather
    pooled = skill_embs.mean(axis=1)                          # [B, D]
    # scores = E_j.weight @ user_skill_emb for each user -> vectorized [B, V_J]
    scores = pooled @ E_j.T                                   # [B, V_J]
    probs = jax.nn.softmax(scores / 0.1, axis=1)              # softmax over jobs (dim=0 per user)
    eps = 1e-09
    # loss_batch = -(onehot * log(probs + eps)).sum() == -log(probs[jid] + eps)
    p_true = jnp.take_along_axis(probs, user_jobs[:, None].astype(jnp.int32), axis=1)[:, 0]
    loss_per_user = -jnp.log(p_true + eps)
    loss = loss_per_user.sum() / B                            # loss / nums
    return loss

if __name__ == "__main__":
    import jax
    _d = setup_inputs()
    print(jax.jit(kernel)(*tuple(_d.values())))

</pallas_src>

<mosaic_0001>
#map = affine_map<(d0, d1) -> (0, 0)>
#map1 = affine_map<(d0, d1) -> (0, 0, 0)>
module attributes {stable_mosaic.version = 14 : i64} {
  func.func @_sc_body(%arg0: i32, %arg1: i32, %arg2: memref<100000x128xf32, #tpu.memory_space<hbm>>, %arg3: memref<100000x128xf32, #tpu.memory_space<hbm>>, %arg4: memref<32x5x128xi32, #tpu.memory_space<hbm>>, %arg5: memref<32x32xi32, #tpu.memory_space<hbm>>, %arg6: memref<32x5x128xi32, #tpu.memory_space<hbm>>, %arg7: memref<32x128xf32, #tpu.memory_space<hbm>>, %arg8: memref<1024x128xf32, #tpu.memory_space<hbm>>, %arg9: memref<1024x128xf32, #tpu.memory_space<hbm>>, %arg10: memref<5x128xi32, #tpu.memory_space<vmem>>, %arg11: memref<5x128xi32, #tpu.memory_space<vmem>>, %arg12: memref<640x128xf32, #tpu.memory_space<vmem>>, %arg13: memref<32xi32, #tpu.memory_space<vmem>>, %arg14: memref<32x128xf32, #tpu.memory_space<vmem>>, %arg15: memref<!tpu.dma_semaphore, #tpu.memory_space<semaphore_mem>>, %arg16: memref<!tpu.dma_semaphore, #tpu.memory_space<semaphore_mem>>, %arg17: memref<!tpu.dma_semaphore, #tpu.memory_space<semaphore_mem>>, %arg18: memref<512x128xf32, #tpu.memory_space<vmem_shared>>) attributes {dimension_semantics = [#tpu.dimension_semantics<core_parallel>, #tpu.dimension_semantics<subcore_parallel>], iteration_bounds = array<i64: 2, 16>, scalar_prefetch = 0 : i64, scratch_operands = 9 : i64, tpu.core_type = #tpu.core_type<sc_vector_subcore>, window_params = [{transform_indices = #map}, {transform_indices = #map}, {transform_indices = #map1}, {transform_indices = #map}, {transform_indices = #map1}, {transform_indices = #map}, {transform_indices = #map}, {transform_indices = #map}]} {
    %mul3A = arith.constant 2 : i32
    %mul3A_0 = arith.muli %arg1, %mul3A : i32
    %add3A = arith.addi %mul3A_0, %arg0 : i32
    %mul3A_1 = arith.constant 32 : i32
    %mul3A_2 = arith.muli %arg1, %mul3A_1 : i32
    "tpu.region"() ({
      %run_scoped3A = tpu.sem_alloc : memref<!tpu.dma_semaphore, #tpu.memory_space<semaphore_mem>>
      %dma_start3A_209 = arith.constant 0 : i32
      %dma_start3A_210 = arith.constant 0 : i32
      %dma_start3A_211 = tpu.memref_slice %arg4[%add3A, %dma_start3A_209, %dma_start3A_210] : memref<32x5x128xi32, #tpu.memory_space<hbm>> -> memref<1x5x128xi32, #tpu.memory_space<hbm>>
      %dma_start3A_212 = tpu.memref_squeeze %dma_start3A_211 : memref<1x5x128xi32, #tpu.memory_space<hbm>> -> memref<5x128xi32, #tpu.memory_space<hbm>>
      %dma_start3A_213 = arith.constant 0 : i32
      %dma_start3A_214 = arith.constant 0 : i32
      %dma_start3A_215 = tpu.memref_slice %arg4[%add3A, %dma_start3A_213, %dma_start3A_214] : memref<32x5x128xi32, #tpu.memory_space<hbm>> -> memref<1x5x128xi32, #tpu.memory_space<hbm>>
      %dma_start3A_216 = tpu.memref_squeeze %dma_start3A_215 : memref<1x5x128xi32, #tpu.memory_space<hbm>> -> memref<5x128xi32, #tpu.memory_space<hbm>>
      tpu.enqueue_dma source(%dma_start3A_216 : memref<5x128xi32, #tpu.memory_space<hbm>>) target(%arg10 : memref<5x128xi32, #tpu.memory_space<vmem>>) target_semaphore(%run_scoped3A : memref<!tpu.dma_semaphore, #tpu.memory_space<semaphore_mem>>)
      %dma_wait3A_217 = arith.constant 0 : i32
      %dma_wait3A_218 = arith.constant 0 : i32
      %dma_wait3A_219 = tpu.memref_slice %arg4[%add3A, %dma_wait3A_217, %dma_wait3A_218] : memref<32x5x128xi32, #tpu.memory_space<hbm>> -> memref<1x5x128xi32, #tpu.memory_space<hbm>>
      %dma_wait3A_220 = tpu.memref_squeeze %dma_wait3A_219 : memref<1x5x128xi32, #tpu.memory_space<hbm>> -> memref<5x128xi32, #tpu.memory_space<hbm>>
      %dma_wait3A_221 = arith.constant 0 : i32
      %dma_wait3A_222 = arith.constant 0 : i32
      %dma_wait3A_223 = tpu.memref_slice %arg4[%add3A, %dma_wait3A_221, %dma_wait3A_222] : memref<32x5x128xi32, #tpu.memory_space<hbm>> -> memref<1x5x128xi32, #tpu.memory_space<hbm>>
      %dma_wait3A_224 = tpu.memref_squeeze %dma_wait3A_223 : memref<1x5x128xi32, #tpu.memory_space<hbm>> -> memref<5x128xi32, #tpu.memory_space<hbm>>
      tpu.wait_dma2 semaphore(%run_scoped3A : memref<!tpu.dma_semaphore, #tpu.memory_space<semaphore_mem>>) src(%dma_wait3A_224 : memref<5x128xi32, #tpu.memory_space<hbm>>) dst(%arg10 : memref<5x128xi32, #tpu.memory_space<vmem>>)
      tpu.yield
    }) : () -> ()
    "tpu.region"() ({
      %run_scoped3A = tpu.sem_alloc : memref<!tpu.dma_semaphore, #tpu.memory_space<semaphore_mem>>
      %dma_start3A_209 = arith.constant 0 : i32
      %dma_start3A_210 = arith.constant 0 : i32
      %dma_start3A_211 = tpu.memref_slice %arg6[%add3A, %dma_start3A_209, %dma_start3A_210] : memref<32x5x128xi32, #tpu.memory_space<hbm>> -> memref<1x5x128xi32, #tpu.memory_space<hbm>>
      %dma_start3A_212 = tpu.memref_squeeze %dma_start3A_211 : memref<1x5x128xi32, #tpu.memory_space<hbm>> -> memref<5x128xi32, #tpu.memory_space<hbm>>
      %dma_start3A_213 = arith.constant 0 : i32
      %dma_start3A_214 = arith.constant 0 : i32
      %dma_start3A_215 = tpu.memref_slice %arg6[%add3A, %dma_start3A_213, %dma_start3A_214] : memref<32x5x128xi32, #tpu.memory_space<hbm>> -> memref<1x5x128xi32, #tpu.memory_space<hbm>>
      %dma_start3A_216 = tpu.memref_squeeze %dma_start3A_215 : memref<1x5x128xi32, #tpu.memory_space<hbm>> -> memref<5x128xi32, #tpu.memory_space<hbm>>
      tpu.enqueue_dma source(%dma_start3A_216 : memref<5x128xi32, #tpu.memory_space<hbm>>) target(%arg11 : memref<5x128xi32, #tpu.memory_space<vmem>>) target_semaphore(%run_scoped3A : memref<!tpu.dma_semaphore, #tpu.memory_space<semaphore_mem>>)
      %dma_wait3A_217 = arith.constant 0 : i32
      %dma_wait3A_218 = arith.constant 0 : i32
      %dma_wait3A_219 = tpu.memref_slice %arg6[%add3A, %dma_wait3A_217, %dma_wait3A_218] : memref<32x5x128xi32, #tpu.memory_space<hbm>> -> memref<1x5x128xi32, #tpu.memory_space<hbm>>
      %dma_wait3A_220 = tpu.memref_squeeze %dma_wait3A_219 : memref<1x5x128xi32, #tpu.memory_space<hbm>> -> memref<5x128xi32, #tpu.memory_space<hbm>>
      %dma_wait3A_221 = arith.constant 0 : i32
      %dma_wait3A_222 = arith.constant 0 : i32
      %dma_wait3A_223 = tpu.memref_slice %arg6[%add3A, %dma_wait3A_221, %dma_wait3A_222] : memref<32x5x128xi32, #tpu.memory_space<hbm>> -> memref<1x5x128xi32, #tpu.memory_space<hbm>>
      %dma_wait3A_224 = tpu.memref_squeeze %dma_wait3A_223 : memref<1x5x128xi32, #tpu.memory_space<hbm>> -> memref<5x128xi32, #tpu.memory_space<hbm>>
      tpu.wait_dma2 semaphore(%run_scoped3A : memref<!tpu.dma_semaphore, #tpu.memory_space<semaphore_mem>>) src(%dma_wait3A_224 : memref<5x128xi32, #tpu.memory_space<hbm>>) dst(%arg11 : memref<5x128xi32, #tpu.memory_space<vmem>>)
      tpu.yield
    }) : () -> ()
    "tpu.region"() ({
      %run_scoped3A = tpu.sem_alloc : memref<!tpu.dma_semaphore, #tpu.memory_space<semaphore_mem>>
      %dma_start3A_209 = arith.constant 0 : i32
      %dma_start3A_210 = tpu.memref_slice %arg5[%add3A, %dma_start3A_209] : memref<32x32xi32, #tpu.memory_space<hbm>> -> memref<1x32xi32, #tpu.memory_space<hbm>>
      %dma_start3A_211 = tpu.memref_squeeze %dma_start3A_210 : memref<1x32xi32, #tpu.memory_space<hbm>> -> memref<32xi32, #tpu.memory_space<hbm>>
      %dma_start3A_212 = arith.constant 0 : i32
      %dma_start3A_213 = tpu.memref_slice %arg5[%add3A, %dma_start3A_212] : memref<32x32xi32, #tpu.memory_space<hbm>> -> memref<1x32xi32, #tpu.memory_space<hbm>>
      %dma_start3A_214 = tpu.memref_squeeze %dma_start3A_213 : memref<1x32xi32, #tpu.memory_space<hbm>> -> memref<32xi32, #tpu.memory_space<hbm>>
      tpu.enqueue_dma source(%dma_start3A_214 : memref<32xi32, #tpu.memory_space<hbm>>) target(%arg13 : memref<32xi32, #tpu.memory_space<vmem>>) target_semaphore(%run_scoped3A : memref<!tpu.dma_semaphore, #tpu.memory_space<semaphore_mem>>)
      %dma_wait3A_215 = arith.constant 0 : i32
      %dma_wait3A_216 = tpu.memref_slice %arg5[%add3A, %dma_wait3A_215] : memref<32x32xi32, #tpu.memory_space<hbm>> -> memref<1x32xi32, #tpu.memory_space<hbm>>
      %dma_wait3A_217 = tpu.memref_squeeze %dma_wait3A_216 : memref<1x32xi32, #tpu.memory_space<hbm>> -> memref<32xi32, #tpu.memory_space<hbm>>
      %dma_wait3A_218 = arith.constant 0 : i32
      %dma_wait3A_219 = tpu.memref_slice %arg5[%add3A, %dma_wait3A_218] : memref<32x32xi32, #tpu.memory_space<hbm>> -> memref<1x32xi32, #tpu.memory_space<hbm>>
      %dma_wait3A_220 = tpu.memref_squeeze %dma_wait3A_219 : memref<1x32xi32, #tpu.memory_space<hbm>> -> memref<32xi32, #tpu.memory_space<hbm>>
      tpu.wait_dma2 semaphore(%run_scoped3A : memref<!tpu.dma_semaphore, #tpu.memory_space<semaphore_mem>>) src(%dma_wait3A_220 : memref<32xi32, #tpu.memory_space<hbm>>) dst(%arg13 : memref<32xi32, #tpu.memory_space<vmem>>)
      tpu.yield
    }) : () -> ()
    "tpu.region"() ({
      %run_scoped3A = tpu.sem_alloc : memref<!tpu.dma_semaphore, #tpu.memory_space<semaphore_mem>>
      %dma_start3A_209 = arith.constant 0 : i32
      %dma_start3A_210 = tpu.memref_slice %arg18[%mul3A_2, %dma_start3A_209] : memref<512x128xf32, #tpu.memory_space<vmem_shared>> -> memref<32x128xf32, #tpu.memory_space<vmem_shared>>
      tpu.enqueue_dma source(%arg7 : memref<32x128xf32, #tpu.memory_space<hbm>>) target(%dma_start3A_210 : memref<32x128xf32, #tpu.memory_space<vmem_shared>>) target_semaphore(%run_scoped3A : memref<!tpu.dma_semaphore, #tpu.memory_space<semaphore_mem>>)
      %dma_wait3A_211 = arith.constant 0 : i32
      %dma_wait3A_212 = tpu.memref_slice %arg18[%mul3A_2, %dma_wait3A_211] : memref<512x128xf32, #tpu.memory_space<vmem_shared>> -> memref<32x128xf32, #tpu.memory_space<vmem_shared>>
      tpu.wait_dma2 semaphore(%run_scoped3A : memref<!tpu.dma_semaphore, #tpu.memory_space<semaphore_mem>>) src(%arg7 : memref<32x128xf32, #tpu.memory_space<hbm>>) dst(%dma_wait3A_212 : memref<32x128xf32, #tpu.memory_space<vmem_shared>>)
      tpu.yield
    }) : () -> ()
    %dma_start3A = arith.constant 0 : i32
    %dma_start3A_3 = arith.constant 0 : i32
    %dma_start3A_4 = arith.constant 0 : i32
    %dma_start3A_5 = tpu.memref_slice %arg12[%dma_start3A_3, %dma_start3A_4] : memref<640x128xf32, #tpu.memory_space<vmem>> -> memref<128x128xf32, #tpu.memory_space<vmem>>
    %dma_start3A_6 = arith.constant 0 : i32
    %dma_start3A_7 = tpu.memref_slice %arg10[%dma_start3A, %dma_start3A_6] : memref<5x128xi32, #tpu.memory_space<vmem>> -> memref<1x128xi32, #tpu.memory_space<vmem>>
    %dma_start3A_8 = tpu.memref_squeeze %dma_start3A_7 : memref<1x128xi32, #tpu.memory_space<vmem>> -> memref<128xi32, #tpu.memory_space<vmem>>
    %dma_start3A_9 = arith.constant 0 : i32
    %dma_start3A_10 = arith.constant 0 : i32
    %dma_start3A_11 = tpu.memref_slice %arg2[%dma_start3A_9, %dma_start3A_10] : memref<100000x128xf32, #tpu.memory_space<hbm>> -> memref<100000x128xf32, #tpu.memory_space<hbm>>
    tpu.enqueue_indirect_dma source(%dma_start3A_11 : memref<100000x128xf32, #tpu.memory_space<hbm>>) target(%dma_start3A_5 : memref<128x128xf32, #tpu.memory_space<vmem>>) offsets(%dma_start3A_8 : memref<128xi32, #tpu.memory_space<vmem>>) semaphore(%arg15 : memref<!tpu.dma_semaphore, #tpu.memory_space<semaphore_mem>>)
    %dma_start3A_12 = arith.constant 1 : i32
    %dma_start3A_13 = arith.constant 128 : i32
    %dma_start3A_14 = arith.constant 0 : i32
    %dma_start3A_15 = tpu.memref_slice %arg12[%dma_start3A_13, %dma_start3A_14] : memref<640x128xf32, #tpu.memory_space<vmem>> -> memref<128x128xf32, #tpu.memory_space<vmem>>
    %dma_start3A_16 = arith.constant 0 : i32
    %dma_start3A_17 = tpu.memref_slice %arg10[%dma_start3A_12, %dma_start3A_16] : memref<5x128xi32, #tpu.memory_space<vmem>> -> memref<1x128xi32, #tpu.memory_space<vmem>>
    %dma_start3A_18 = tpu.memref_squeeze %dma_start3A_17 : memref<1x128xi32, #tpu.memory_space<vmem>> -> memref<128xi32, #tpu.memory_space<vmem>>
    %dma_start3A_19 = arith.constant 0 : i32
    %dma_start3A_20 = arith.constant 0 : i32
    %dma_start3A_21 = tpu.memref_slice %arg2[%dma_start3A_19, %dma_start3A_20] : memref<100000x128xf32, #tpu.memory_space<hbm>> -> memref<100000x128xf32, #tpu.memory_space<hbm>>
    tpu.enqueue_indirect_dma source(%dma_start3A_21 : memref<100000x128xf32, #tpu.memory_space<hbm>>) target(%dma_start3A_15 : memref<128x128xf32, #tpu.memory_space<vmem>>) offsets(%dma_start3A_18 : memref<128xi32, #tpu.memory_space<vmem>>) semaphore(%arg15 : memref<!tpu.dma_semaphore, #tpu.memory_space<semaphore_mem>>)
    %dma_start3A_22 = arith.constant 2 : i32
    %dma_start3A_23 = arith.constant 256 : i32
    %dma_start3A_24 = arith.constant 0 : i32
    %dma_start3A_25 = tpu.memref_slice %arg12[%dma_start3A_23, %dma_start3A_24] : memref<640x128xf32, #tpu.memory_space<vmem>> -> memref<128x128xf32, #tpu.memory_space<vmem>>
    %dma_start3A_26 = arith.constant 0 : i32
    %dma_start3A_27 = tpu.memref_slice %arg10[%dma_start3A_22, %dma_start3A_26] : memref<5x128xi32, #tpu.memory_space<vmem>> -> memref<1x128xi32, #tpu.memory_space<vmem>>
    %dma_start3A_28 = tpu.memref_squeeze %dma_start3A_27 : memref<1x128xi32, #tpu.memory_space<vmem>> -> memref<128xi32, #tpu.memory_space<vmem>>
    %dma_start3A_29 = arith.constant 0 : i32
    %dma_start3A_30 = arith.constant 0 : i32
    %dma_start3A_31 = tpu.memref_slice %arg2[%dma_start3A_29, %dma_start3A_30] : memref<100000x128xf32, #tpu.memory_space<hbm>> -> memref<100000x128xf32, #tpu.memory_space<hbm>>
    tpu.enqueue_indirect_dma source(%dma_start3A_31 : memref<100000x128xf32, #tpu.memory_space<hbm>>) target(%dma_start3A_25 : memref<128x128xf32, #tpu.memory_space<vmem>>) offsets(%dma_start3A_28 : memref<128xi32, #tpu.memory_space<vmem>>) semaphore(%arg15 : memref<!tpu.dma_semaphore, #tpu.memory_space<semaphore_mem>>)
    %dma_start3A_32 = arith.constant 3 : i32
    %dma_start3A_33 = arith.constant 384 : i32
    %dma_start3A_34 = arith.constant 0 : i32
    %dma_start3A_35 = tpu.memref_slice %arg12[%dma_start3A_33, %dma_start3A_34] : memref<640x128xf32, #tpu.memory_space<vmem>> -> memref<128x128xf32, #tpu.memory_space<vmem>>
    %dma_start3A_36 = arith.constant 0 : i32
    %dma_start3A_37 = tpu.memref_slice %arg10[%dma_start3A_32, %dma_start3A_36] : memref<5x128xi32, #tpu.memory_space<vmem>> -> memref<1x128xi32, #tpu.memory_space<vmem>>
    %dma_start3A_38 = tpu.memref_squeeze %dma_start3A_37 : memref<1x128xi32, #tpu.memory_space<vmem>> -> memref<128xi32, #tpu.memory_space<vmem>>
    %dma_start3A_39 = arith.constant 0 : i32
    %dma_start3A_40 = arith.constant 0 : i32
    %dma_start3A_41 = tpu.memref_slice %arg2[%dma_start3A_39, %dma_start3A_40] : memref<100000x128xf32, #tpu.memory_space<hbm>> -> memref<100000x128xf32, #tpu.memory_space<hbm>>
    tpu.enqueue_indirect_dma source(%dma_start3A_41 : memref<100000x128xf32, #tpu.memory_space<hbm>>) target(%dma_start3A_35 : memref<128x128xf32, #tpu.memory_space<vmem>>) offsets(%dma_start3A_38 : memref<128xi32, #tpu.memory_space<vmem>>) semaphore(%arg15 : memref<!tpu.dma_semaphore, #tpu.memory_space<semaphore_mem>>)
    %dma_start3A_42 = arith.constant 4 : i32
    %dma_start3A_43 = arith.constant 512 : i32
    %dma_start3A_44 = arith.constant 0 : i32
    %dma_start3A_45 = tpu.memref_slice %arg12[%dma_start3A_43, %dma_start3A_44] : memref<640x128xf32, #tpu.memory_space<vmem>> -> memref<128x128xf32, #tpu.memory_space<vmem>>
    %dma_start3A_46 = arith.constant 0 : i32
    %dma_start3A_47 = tpu.memref_slice %arg10[%dma_start3A_42, %dma_start3A_46] : memref<5x128xi32, #tpu.memory_space<vmem>> -> memref<1x128xi32, #tpu.memory_space<vmem>>
    %dma_start3A_48 = tpu.memref_squeeze %dma_start3A_47 : memref<1x128xi32, #tpu.memory_space<vmem>> -> memref<128xi32, #tpu.memory_space<vmem>>
    %dma_start3A_49 = arith.constant 0 : i32
    %dma_start3A_50 = arith.constant 0 : i32
    %dma_start3A_51 = tpu.memref_slice %arg2[%dma_start3A_49, %dma_start3A_50] : memref<100000x128xf32, #tpu.memory_space<hbm>> -> memref<100000x128xf32, #tpu.memory_space<hbm>>
    tpu.enqueue_indirect_dma source(%dma_start3A_51 : memref<100000x128xf32, #tpu.memory_space<hbm>>) target(%dma_start3A_45 : memref<128x128xf32, #tpu.memory_space<vmem>>) offsets(%dma_start3A_48 : memref<128xi32, #tpu.memory_space<vmem>>) semaphore(%arg15 : memref<!tpu.dma_semaphore, #tpu.memory_space<semaphore_mem>>)
    %dma_start3A_52 = arith.constant 0 : i32
    %dma_start3A_53 = arith.constant 0 : i32
    %dma_start3A_54 = tpu.memref_slice %arg3[%dma_start3A_52, %dma_start3A_53] : memref<100000x128xf32, #tpu.memory_space<hbm>> -> memref<100000x128xf32, #tpu.memory_space<hbm>>
    tpu.enqueue_indirect_dma source(%dma_start3A_54 : memref<100000x128xf32, #tpu.memory_space<hbm>>) target(%arg14 : memref<32x128xf32, #tpu.memory_space<vmem>>) offsets(%arg13 : memref<32xi32, #tpu.memory_space<vmem>>) semaphore(%arg16 : memref<!tpu.dma_semaphore, #tpu.memory_space<semaphore_mem>>)
    %dma_wait3A = arith.constant 0 : i32
    %dma_wait3A_55 = arith.constant 0 : i32
    %dma_wait3A_56 = arith.constant 0 : i32
    %dma_wait3A_57 = tpu.memref_slice %arg12[%dma_wait3A_55, %dma_wait3A_56] : memref<640x128xf32, #tpu.memory_space<vmem>> -> memref<128x128xf32, #tpu.memory_space<vmem>>
    %dma_wait3A_58 = arith.constant 0 : i32
    %dma_wait3A_59 = tpu.memref_slice %arg10[%dma_wait3A, %dma_wait3A_58] : memref<5x128xi32, #tpu.memory_space<vmem>> -> memref<1x128xi32, #tpu.memory_space<vmem>>
    %dma_wait3A_60 = tpu.memref_squeeze %dma_wait3A_59 : memref<1x128xi32, #tpu.memory_space<vmem>> -> memref<128xi32, #tpu.memory_space<vmem>>
    %dma_wait3A_61 = arith.constant 0 : i32
    %dma_wait3A_62 = arith.constant 0 : i32
    %dma_wait3A_63 = tpu.memref_slice %arg2[%dma_wait3A_61, %dma_wait3A_62] : memref<100000x128xf32, #tpu.memory_space<hbm>> -> memref<100000x128xf32, #tpu.memory_space<hbm>>
    tpu.wait_indirect_dma semaphore(%arg15 : memref<!tpu.dma_semaphore, #tpu.memory_space<semaphore_mem>>) src(%dma_wait3A_63 : memref<100000x128xf32, #tpu.memory_space<hbm>>) dst(%dma_wait3A_57 : memref<128x128xf32, #tpu.memory_space<vmem>>)
    %dma_start3A_64 = arith.constant 0 : i32
    %dma_start3A_65 = arith.constant 0 : i32
    %dma_start3A_66 = arith.constant 0 : i32
    %dma_start3A_67 = tpu.memref_slice %arg12[%dma_start3A_65, %dma_start3A_66] : memref<640x128xf32, #tpu.memory_space<vmem>> -> memref<128x128xf32, #tpu.memory_space<vmem>>
    %dma_start3A_68 = arith.constant 0 : i32
    %dma_start3A_69 = tpu.memref_slice %arg11[%dma_start3A_64, %dma_start3A_68] : memref<5x128xi32, #tpu.memory_space<vmem>> -> memref<1x128xi32, #tpu.memory_space<vmem>>
    %dma_start3A_70 = tpu.memref_squeeze %dma_start3A_69 : memref<1x128xi32, #tpu.memory_space<vmem>> -> memref<128xi32, #tpu.memory_space<vmem>>
    %dma_start3A_71 = arith.constant 0 : i32
    %dma_start3A_72 = arith.constant 0 : i32
    %dma_start3A_73 = tpu.memref_slice %arg18[%dma_start3A_71, %dma_start3A_72] : memref<512x128xf32, #tpu.memory_space<vmem_shared>> -> memref<512x128xf32, #tpu.memory_space<vmem_shared>>
    tpu.enqueue_indirect_dma source(%dma_start3A_67 : memref<128x128xf32, #tpu.memory_space<vmem>>) target(%dma_start3A_73 : memref<512x128xf32, #tpu.memory_space<vmem_shared>>) offsets(%dma_start3A_70 : memref<128xi32, #tpu.memory_space<vmem>>) semaphore(%arg17 : memref<!tpu.dma_semaphore, #tpu.memory_space<semaphore_mem>>) {add = true}
    %dma_wait3A_74 = arith.constant 1 : i32
    %dma_wait3A_75 = arith.constant 128 : i32
    %dma_wait3A_76 = arith.constant 0 : i32
    %dma_wait3A_77 = tpu.memref_slice %arg12[%dma_wait3A_75, %dma_wait3A_76] : memref<640x128xf32, #tpu.memory_space<vmem>> -> memref<128x128xf32, #tpu.memory_space<vmem>>
    %dma_wait3A_78 = arith.constant 0 : i32
    %dma_wait3A_79 = tpu.memref_slice %arg10[%dma_wait3A_74, %dma_wait3A_78] : memref<5x128xi32, #tpu.memory_space<vmem>> -> memref<1x128xi32, #tpu.memory_space<vmem>>
    %dma_wait3A_80 = tpu.memref_squeeze %dma_wait3A_79 : memref<1x128xi32, #tpu.memory_space<vmem>> -> memref<128xi32, #tpu.memory_space<vmem>>
    %dma_wait3A_81 = arith.constant 0 : i32
    %dma_wait3A_82 = arith.constant 0 : i32
    %dma_wait3A_83 = tpu.memref_slice %arg2[%dma_wait3A_81, %dma_wait3A_82] : memref<100000x128xf32, #tpu.memory_space<hbm>> -> memref<100000x128xf32, #tpu.memory_space<hbm>>
    tpu.wait_indirect_dma semaphore(%arg15 : memref<!tpu.dma_semaphore, #tpu.memory_space<semaphore_mem>>) src(%dma_wait3A_83 : memref<100000x128xf32, #tpu.memory_space<hbm>>) dst(%dma_wait3A_77 : memref<128x128xf32, #tpu.memory_space<vmem>>)
    %dma_start3A_84 = arith.constant 1 : i32
    %dma_start3A_85 = arith.constant 128 : i32
    %dma_start3A_86 = arith.constant 0 : i32
    %dma_start3A_87 = tpu.memref_slice %arg12[%dma_start3A_85, %dma_start3A_86] : memref<640x128xf32, #tpu.memory_space<vmem>> -> memref<128x128xf32, #tpu.memory_space<vmem>>
    %dma_start3A_88 = arith.constant 0 : i32
    %dma_start3A_89 = tpu.memref_slice %arg11[%dma_start3A_84, %dma_start3A_88] : memref<5x128xi32, #tpu.memory_space<vmem>> -> memref<1x128xi32, #tpu.memory_space<vmem>>
    %dma_start3A_90 = tpu.memref_squeeze %dma_start3A_89 : memref<1x128xi32, #tpu.memory_space<vmem>> -> memref<128xi32, #tpu.memory_space<vmem>>
    %dma_start3A_91 = arith.constant 0 : i32
    %dma_start3A_92 = arith.constant 0 : i32
    %dma_start3A_93 = tpu.memref_slice %arg18[%dma_start3A_91, %dma_start3A_92] : memref<512x128xf32, #tpu.memory_space<vmem_shared>> -> memref<512x128xf32, #tpu.memory_space<vmem_shared>>
    tpu.enqueue_indirect_dma source(%dma_start3A_87 : memref<128x128xf32, #tpu.memory_space<vmem>>) target(%dma_start3A_93 : memref<512x128xf32, #tpu.memory_space<vmem_shared>>) offsets(%dma_start3A_90 : memref<128xi32, #tpu.memory_space<vmem>>) semaphore(%arg17 : memref<!tpu.dma_semaphore, #tpu.memory_space<semaphore_mem>>) {add = true}
    %dma_wait3A_94 = arith.constant 2 : i32
    %dma_wait3A_95 = arith.constant 256 : i32
    %dma_wait3A_96 = arith.constant 0 : i32
    %dma_wait3A_97 = tpu.memref_slice %arg12[%dma_wait3A_95, %dma_wait3A_96] : memref<640x128xf32, #tpu.memory_space<vmem>> -> memref<128x128xf32, #tpu.memory_space<vmem>>
    %dma_wait3A_98 = arith.constant 0 : i32
    %dma_wait3A_99 = tpu.memref_slice %arg10[%dma_wait3A_94, %dma_wait3A_98] : memref<5x128xi32, #tpu.memory_space<vmem>> -> memref<1x128xi32, #tpu.memory_space<vmem>>
    %dma_wait3A_100 = tpu.memref_squeeze %dma_wait3A_99 : memref<1x128xi32, #tpu.memory_space<vmem>> -> memref<128xi32, #tpu.memory_space<vmem>>
    %dma_wait3A_101 = arith.constant 0 : i32
    %dma_wait3A_102 = arith.constant 0 : i32
    %dma_wait3A_103 = tpu.memref_slice %arg2[%dma_wait3A_101, %dma_wait3A_102] : memref<100000x128xf32, #tpu.memory_space<hbm>> -> memref<100000x128xf32, #tpu.memory_space<hbm>>
    tpu.wait_indirect_dma semaphore(%arg15 : memref<!tpu.dma_semaphore, #tpu.memory_space<semaphore_mem>>) src(%dma_wait3A_103 : memref<100000x128xf32, #tpu.memory_space<hbm>>) dst(%dma_wait3A_97 : memref<128x128xf32, #tpu.memory_space<vmem>>)
    %dma_start3A_104 = arith.constant 2 : i32
    %dma_start3A_105 = arith.constant 256 : i32
    %dma_start3A_106 = arith.constant 0 : i32
    %dma_start3A_107 = tpu.memref_slice %arg12[%dma_start3A_105, %dma_start3A_106] : memref<640x128xf32, #tpu.memory_space<vmem>> -> memref<128x128xf32, #tpu.memory_space<vmem>>
    %dma_start3A_108 = arith.constant 0 : i32
    %dma_start3A_109 = tpu.memref_slice %arg11[%dma_start3A_104, %dma_start3A_108] : memref<5x128xi32, #tpu.memory_space<vmem>> -> memref<1x128xi32, #tpu.memory_space<vmem>>
    %dma_start3A_110 = tpu.memref_squeeze %dma_start3A_109 : memref<1x128xi32, #tpu.memory_space<vmem>> -> memref<128xi32, #tpu.memory_space<vmem>>
    %dma_start3A_111 = arith.constant 0 : i32
    %dma_start3A_112 = arith.constant 0 : i32
    %dma_start3A_113 = tpu.memref_slice %arg18[%dma_start3A_111, %dma_start3A_112] : memref<512x128xf32, #tpu.memory_space<vmem_shared>> -> memref<512x128xf32, #tpu.memory_space<vmem_shared>>
    tpu.enqueue_indirect_dma source(%dma_start3A_107 : memref<128x128xf32, #tpu.memory_space<vmem>>) target(%dma_start3A_113 : memref<512x128xf32, #tpu.memory_space<vmem_shared>>) offsets(%dma_start3A_110 : memref<128xi32, #tpu.memory_space<vmem>>) semaphore(%arg17 : memref<!tpu.dma_semaphore, #tpu.memory_space<semaphore_mem>>) {add = true}
    %dma_wait3A_114 = arith.constant 3 : i32
    %dma_wait3A_115 = arith.constant 384 : i32
    %dma_wait3A_116 = arith.constant 0 : i32
    %dma_wait3A_117 = tpu.memref_slice %arg12[%dma_wait3A_115, %dma_wait3A_116] : memref<640x128xf32, #tpu.memory_space<vmem>> -> memref<128x128xf32, #tpu.memory_space<vmem>>
    %dma_wait3A_118 = arith.constant 0 : i32
    %dma_wait3A_119 = tpu.memref_slice %arg10[%dma_wait3A_114, %dma_wait3A_118] : memref<5x128xi32, #tpu.memory_space<vmem>> -> memref<1x128xi32, #tpu.memory_space<vmem>>
    %dma_wait3A_120 = tpu.memref_squeeze %dma_wait3A_119 : memref<1x128xi32, #tpu.memory_space<vmem>> -> memref<128xi32, #tpu.memory_space<vmem>>
    %dma_wait3A_121 = arith.constant 0 : i32
    %dma_wait3A_122 = arith.constant 0 : i32
    %dma_wait3A_123 = tpu.memref_slice %arg2[%dma_wait3A_121, %dma_wait3A_122] : memref<100000x128xf32, #tpu.memory_space<hbm>> -> memref<100000x128xf32, #tpu.memory_space<hbm>>
    tpu.wait_indirect_dma semaphore(%arg15 : memref<!tpu.dma_semaphore, #tpu.memory_space<semaphore_mem>>) src(%dma_wait3A_123 : memref<100000x128xf32, #tpu.memory_space<hbm>>) dst(%dma_wait3A_117 : memref<128x128xf32, #tpu.memory_space<vmem>>)
    %dma_start3A_124 = arith.constant 3 : i32
    %dma_start3A_125 = arith.constant 384 : i32
    %dma_start3A_126 = arith.constant 0 : i32
    %dma_start3A_127 = tpu.memref_slice %arg12[%dma_start3A_125, %dma_start3A_126] : memref<640x128xf32, #tpu.memory_space<vmem>> -> memref<128x128xf32, #tpu.memory_space<vmem>>
    %dma_start3A_128 = arith.constant 0 : i32
    %dma_start3A_129 = tpu.memref_slice %arg11[%dma_start3A_124, %dma_start3A_128] : memref<5x128xi32, #tpu.memory_space<vmem>> -> memref<1x128xi32, #tpu.memory_space<vmem>>
    %dma_start3A_130 = tpu.memref_squeeze %dma_start3A_129 : memref<1x128xi32, #tpu.memory_space<vmem>> -> memref<128xi32, #tpu.memory_space<vmem>>
    %dma_start3A_131 = arith.constant 0 : i32
    %dma_start3A_132 = arith.constant 0 : i32
    %dma_start3A_133 = tpu.memref_slice %arg18[%dma_start3A_131, %dma_start3A_132] : memref<512x128xf32, #tpu.memory_space<vmem_shared>> -> memref<512x128xf32, #tpu.memory_space<vmem_shared>>
    tpu.enqueue_indirect_dma source(%dma_start3A_127 : memref<128x128xf32, #tpu.memory_space<vmem>>) target(%dma_start3A_133 : memref<512x128xf32, #tpu.memory_space<vmem_shared>>) offsets(%dma_start3A_130 : memref<128xi32, #tpu.memory_space<vmem>>) semaphore(%arg17 : memref<!tpu.dma_semaphore, #tpu.memory_space<semaphore_mem>>) {add = true}
    %dma_wait3A_134 = arith.constant 4 : i32
    %dma_wait3A_135 = arith.constant 512 : i32
    %dma_wait3A_136 = arith.constant 0 : i32
    %dma_wait3A_137 = tpu.memref_slice %arg12[%dma_wait3A_135, %dma_wait3A_136] : memref<640x128xf32, #tpu.memory_space<vmem>> -> memref<128x128xf32, #tpu.memory_space<vmem>>
    %dma_wait3A_138 = arith.constant 0 : i32
    %dma_wait3A_139 = tpu.memref_slice %arg10[%dma_wait3A_134, %dma_wait3A_138] : memref<5x128xi32, #tpu.memory_space<vmem>> -> memref<1x128xi32, #tpu.memory_space<vmem>>
    %dma_wait3A_140 = tpu.memref_squeeze %dma_wait3A_139 : memref<1x128xi32, #tpu.memory_space<vmem>> -> memref<128xi32, #tpu.memory_space<vmem>>
    %dma_wait3A_141 = arith.constant 0 : i32
    %dma_wait3A_142 = arith.constant 0 : i32
    %dma_wait3A_143 = tpu.memref_slice %arg2[%dma_wait3A_141, %dma_wait3A_142] : memref<100000x128xf32, #tpu.memory_space<hbm>> -> memref<100000x128xf32, #tpu.memory_space<hbm>>
    tpu.wait_indirect_dma semaphore(%arg15 : memref<!tpu.dma_semaphore, #tpu.memory_space<semaphore_mem>>) src(%dma_wait3A_143 : memref<100000x128xf32, #tpu.memory_space<hbm>>) dst(%dma_wait3A_137 : memref<128x128xf32, #tpu.memory_space<vmem>>)
    %dma_start3A_144 = arith.constant 4 : i32
    %dma_start3A_145 = arith.constant 512 : i32
    %dma_start3A_146 = arith.constant 0 : i32
    %dma_start3A_147 = tpu.memref_slice %arg12[%dma_start3A_145, %dma_start3A_146] : memref<640x128xf32, #tpu.memory_space<vmem>> -> memref<128x128xf32, #tpu.memory_space<vmem>>
    %dma_start3A_148 = arith.constant 0 : i32
    %dma_start3A_149 = tpu.memref_slice %arg11[%dma_start3A_144, %dma_start3A_148] : memref<5x128xi32, #tpu.memory_space<vmem>> -> memref<1x128xi32, #tpu.memory_space<vmem>>
    %dma_start3A_150 = tpu.memref_squeeze %dma_start3A_149 : memref<1x128xi32, #tpu.memory_space<vmem>> -> memref<128xi32, #tpu.memory_space<vmem>>
    %dma_start3A_151 = arith.constant 0 : i32
    %dma_start3A_152 = arith.constant 0 : i32
    %dma_start3A_153 = tpu.memref_slice %arg18[%dma_start3A_151, %dma_start3A_152] : memref<512x128xf32, #tpu.memory_space<vmem_shared>> -> memref<512x128xf32, #tpu.memory_space<vmem_shared>>
    tpu.enqueue_indirect_dma source(%dma_start3A_147 : memref<128x128xf32, #tpu.memory_space<vmem>>) target(%dma_start3A_153 : memref<512x128xf32, #tpu.memory_space<vmem_shared>>) offsets(%dma_start3A_150 : memref<128xi32, #tpu.memory_space<vmem>>) semaphore(%arg17 : memref<!tpu.dma_semaphore, #tpu.memory_space<semaphore_mem>>) {add = true}
    %dma_wait3A_154 = arith.constant 0 : i32
    %dma_wait3A_155 = arith.constant 0 : i32
    %dma_wait3A_156 = arith.constant 0 : i32
    %dma_wait3A_157 = tpu.memref_slice %arg12[%dma_wait3A_155, %dma_wait3A_156] : memref<640x128xf32, #tpu.memory_space<vmem>> -> memref<128x128xf32, #tpu.memory_space<vmem>>
    %dma_wait3A_158 = arith.constant 0 : i32
    %dma_wait3A_159 = tpu.memref_slice %arg11[%dma_wait3A_154, %dma_wait3A_158] : memref<5x128xi32, #tpu.memory_space<vmem>> -> memref<1x128xi32, #tpu.memory_space<vmem>>
    %dma_wait3A_160 = tpu.memref_squeeze %dma_wait3A_159 : memref<1x128xi32, #tpu.memory_space<vmem>> -> memref<128xi32, #tpu.memory_space<vmem>>
    %dma_wait3A_161 = arith.constant 0 : i32
    %dma_wait3A_162 = arith.constant 0 : i32
    %dma_wait3A_163 = tpu.memref_slice %arg18[%dma_wait3A_161, %dma_wait3A_162] : memref<512x128xf32, #tpu.memory_space<vmem_shared>> -> memref<512x128xf32, #tpu.memory_space<vmem_shared>>
    tpu.wait_indirect_dma semaphore(%arg17 : memref<!tpu.dma_semaphore, #tpu.memory_space<semaphore_mem>>) src(%dma_wait3A_157 : memref<128x128xf32, #tpu.memory_space<vmem>>) dst(%dma_wait3A_163 : memref<512x128xf32, #tpu.memory_space<vmem_shared>>)
    %dma_wait3A_164 = arith.constant 1 : i32
    %dma_wait3A_165 = arith.constant 128 : i32
    %dma_wait3A_166 = arith.constant 0 : i32
    %dma_wait3A_167 = tpu.memref_slice %arg12[%dma_wait3A_165, %dma_wait3A_166] : memref<640x128xf32, #tpu.memory_space<vmem>> -> memref<128x128xf32, #tpu.memory_space<vmem>>
    %dma_wait3A_168 = arith.constant 0 : i32
    %dma_wait3A_169 = tpu.memref_slice %arg11[%dma_wait3A_164, %dma_wait3A_168] : memref<5x128xi32, #tpu.memory_space<vmem>> -> memref<1x128xi32, #tpu.memory_space<vmem>>
    %dma_wait3A_170 = tpu.memref_squeeze %dma_wait3A_169 : memref<1x128xi32, #tpu.memory_space<vmem>> -> memref<128xi32, #tpu.memory_space<vmem>>
    %dma_wait3A_171 = arith.constant 0 : i32
    %dma_wait3A_172 = arith.constant 0 : i32
    %dma_wait3A_173 = tpu.memref_slice %arg18[%dma_wait3A_171, %dma_wait3A_172] : memref<512x128xf32, #tpu.memory_space<vmem_shared>> -> memref<512x128xf32, #tpu.memory_space<vmem_shared>>
    tpu.wait_indirect_dma semaphore(%arg17 : memref<!tpu.dma_semaphore, #tpu.memory_space<semaphore_mem>>) src(%dma_wait3A_167 : memref<128x128xf32, #tpu.memory_space<vmem>>) dst(%dma_wait3A_173 : memref<512x128xf32, #tpu.memory_space<vmem_shared>>)
    %dma_wait3A_174 = arith.constant 2 : i32
    %dma_wait3A_175 = arith.constant 256 : i32
    %dma_wait3A_176 = arith.constant 0 : i32
    %dma_wait3A_177 = tpu.memref_slice %arg12[%dma_wait3A_175, %dma_wait3A_176] : memref<640x128xf32, #tpu.memory_space<vmem>> -> memref<128x128xf32, #tpu.memory_space<vmem>>
    %dma_wait3A_178 = arith.constant 0 : i32
    %dma_wait3A_179 = tpu.memref_slice %arg11[%dma_wait3A_174, %dma_wait3A_178] : memref<5x128xi32, #tpu.memory_space<vmem>> -> memref<1x128xi32, #tpu.memory_space<vmem>>
    %dma_wait3A_180 = tpu.memref_squeeze %dma_wait3A_179 : memref<1x128xi32, #tpu.memory_space<vmem>> -> memref<128xi32, #tpu.memory_space<vmem>>
    %dma_wait3A_181 = arith.constant 0 : i32
    %dma_wait3A_182 = arith.constant 0 : i32
    %dma_wait3A_183 = tpu.memref_slice %arg18[%dma_wait3A_181, %dma_wait3A_182] : memref<512x128xf32, #tpu.memory_space<vmem_shared>> -> memref<512x128xf32, #tpu.memory_space<vmem_shared>>
    tpu.wait_indirect_dma semaphore(%arg17 : memref<!tpu.dma_semaphore, #tpu.memory_space<semaphore_mem>>) src(%dma_wait3A_177 : memref<128x128xf32, #tpu.memory_space<vmem>>) dst(%dma_wait3A_183 : memref<512x128xf32, #tpu.memory_space<vmem_shared>>)
    %dma_wait3A_184 = arith.constant 3 : i32
    %dma_wait3A_185 = arith.constant 384 : i32
    %dma_wait3A_186 = arith.constant 0 : i32
    %dma_wait3A_187 = tpu.memref_slice %arg12[%dma_wait3A_185, %dma_wait3A_186] : memref<640x128xf32, #tpu.memory_space<vmem>> -> memref<128x128xf32, #tpu.memory_space<vmem>>
    %dma_wait3A_188 = arith.constant 0 : i32
    %dma_wait3A_189 = tpu.memref_slice %arg11[%dma_wait3A_184, %dma_wait3A_188] : memref<5x128xi32, #tpu.memory_space<vmem>> -> memref<1x128xi32, #tpu.memory_space<vmem>>
    %dma_wait3A_190 = tpu.memref_squeeze %dma_wait3A_189 : memref<1x128xi32, #tpu.memory_space<vmem>> -> memref<128xi32, #tpu.memory_space<vmem>>
    %dma_wait3A_191 = arith.constant 0 : i32
    %dma_wait3A_192 = arith.constant 0 : i32
    %dma_wait3A_193 = tpu.memref_slice %arg18[%dma_wait3A_191, %dma_wait3A_192] : memref<512x128xf32, #tpu.memory_space<vmem_shared>> -> memref<512x128xf32, #tpu.memory_space<vmem_shared>>
    tpu.wait_indirect_dma semaphore(%arg17 : memref<!tpu.dma_semaphore, #tpu.memory_space<semaphore_mem>>) src(%dma_wait3A_187 : memref<128x128xf32, #tpu.memory_space<vmem>>) dst(%dma_wait3A_193 : memref<512x128xf32, #tpu.memory_space<vmem_shared>>)
    %dma_wait3A_194 = arith.constant 4 : i32
    %dma_wait3A_195 = arith.constant 512 : i32
    %dma_wait3A_196 = arith.constant 0 : i32
    %dma_wait3A_197 = tpu.memref_slice %arg12[%dma_wait3A_195, %dma_wait3A_196] : memref<640x128xf32, #tpu.memory_space<vmem>> -> memref<128x128xf32, #tpu.memory_space<vmem>>
    %dma_wait3A_198 = arith.constant 0 : i32
    %dma_wait3A_199 = tpu.memref_slice %arg11[%dma_wait3A_194, %dma_wait3A_198] : memref<5x128xi32, #tpu.memory_space<vmem>> -> memref<1x128xi32, #tpu.memory_space<vmem>>
    %dma_wait3A_200 = tpu.memref_squeeze %dma_wait3A_199 : memref<1x128xi32, #tpu.memory_space<vmem>> -> memref<128xi32, #tpu.memory_space<vmem>>
    %dma_wait3A_201 = arith.constant 0 : i32
    %dma_wait3A_202 = arith.constant 0 : i32
    %dma_wait3A_203 = tpu.memref_slice %arg18[%dma_wait3A_201, %dma_wait3A_202] : memref<512x128xf32, #tpu.memory_space<vmem_shared>> -> memref<512x128xf32, #tpu.memory_space<vmem_shared>>
    tpu.wait_indirect_dma semaphore(%arg17 : memref<!tpu.dma_semaphore, #tpu.memory_space<semaphore_mem>>) src(%dma_wait3A_197 : memref<128x128xf32, #tpu.memory_space<vmem>>) dst(%dma_wait3A_203 : memref<512x128xf32, #tpu.memory_space<vmem_shared>>)
    %mul3A_204 = arith.constant 32 : i32
    %mul3A_205 = arith.muli %add3A, %mul3A_204 : i32
    "tpu.region"() ({
      %run_scoped3A = tpu.sem_alloc : memref<!tpu.dma_semaphore, #tpu.memory_space<semaphore_mem>>
      %dma_start3A_209 = arith.constant 0 : i32
      %dma_start3A_210 = tpu.memref_slice %arg8[%mul3A_205, %dma_start3A_209] : memref<1024x128xf32, #tpu.memory_space<hbm>> -> memref<32x128xf32, #tpu.memory_space<hbm>>
      %dma_start3A_211 = arith.constant 0 : i32
      %dma_start3A_212 = tpu.memref_slice %arg18[%mul3A_2, %dma_start3A_211] : memref<512x128xf32, #tpu.memory_space<vmem_shared>> -> memref<32x128xf32, #tpu.memory_space<vmem_shared>>
      tpu.enqueue_dma source(%dma_start3A_212 : memref<32x128xf32, #tpu.memory_space<vmem_shared>>) target(%dma_start3A_210 : memref<32x128xf32, #tpu.memory_space<hbm>>) target_semaphore(%run_scoped3A : memref<!tpu.dma_semaphore, #tpu.memory_space<semaphore_mem>>)
      %dma_wait3A_213 = arith.constant 0 : i32
      %dma_wait3A_214 = tpu.memref_slice %arg8[%mul3A_205, %dma_wait3A_213] : memref<1024x128xf32, #tpu.memory_space<hbm>> -> memref<32x128xf32, #tpu.memory_space<hbm>>
      %dma_wait3A_215 = arith.constant 0 : i32
      %dma_wait3A_216 = tpu.memref_slice %arg18[%mul3A_2, %dma_wait3A_215] : memref<512x128xf32, #tpu.memory_space<vmem_shared>> -> memref<32x128xf32, #tpu.memory_space<vmem_shared>>
      tpu.wait_dma2 semaphore(%run_scoped3A : memref<!tpu.dma_semaphore, #tpu.memory_space<semaphore_mem>>) src(%dma_wait3A_216 : memref<32x128xf32, #tpu.memory_space<vmem_shared>>) dst(%dma_wait3A_214 : memref<32x128xf32, #tpu.memory_space<hbm>>)
      tpu.yield
    }) : () -> ()
    %dma_wait3A_206 = arith.constant 0 : i32
    %dma_wait3A_207 = arith.constant 0 : i32
    %dma_wait3A_208 = tpu.memref_slice %arg3[%dma_wait3A_206, %dma_wait3A_207] : memref<100000x128xf32, #tpu.memory_space<hbm>> -> memref<100000x128xf32, #tpu.memory_space<hbm>>
    tpu.wait_indirect_dma semaphore(%arg16 : memref<!tpu.dma_semaphore, #tpu.memory_space<semaphore_mem>>) src(%dma_wait3A_208 : memref<100000x128xf32, #tpu.memory_space<hbm>>) dst(%arg14 : memref<32x128xf32, #tpu.memory_space<vmem>>)
    "tpu.region"() ({
      %run_scoped3A = tpu.sem_alloc : memref<!tpu.dma_semaphore, #tpu.memory_space<semaphore_mem>>
      %dma_start3A_209 = arith.constant 0 : i32
      %dma_start3A_210 = tpu.memref_slice %arg9[%mul3A_205, %dma_start3A_209] : memref<1024x128xf32, #tpu.memory_space<hbm>> -> memref<32x128xf32, #tpu.memory_space<hbm>>
      %dma_start3A_211 = arith.constant 0 : i32
      %dma_start3A_212 = tpu.memref_slice %arg9[%mul3A_205, %dma_start3A_211] : memref<1024x128xf32, #tpu.memory_space<hbm>> -> memref<32x128xf32, #tpu.memory_space<hbm>>
      tpu.enqueue_dma source(%arg14 : memref<32x128xf32, #tpu.memory_space<vmem>>) target(%dma_start3A_212 : memref<32x128xf32, #tpu.memory_space<hbm>>) target_semaphore(%run_scoped3A : memref<!tpu.dma_semaphore, #tpu.memory_space<semaphore_mem>>)
      %dma_wait3A_213 = arith.constant 0 : i32
      %dma_wait3A_214 = tpu.memref_slice %arg9[%mul3A_205, %dma_wait3A_213] : memref<1024x128xf32, #tpu.memory_space<hbm>> -> memref<32x128xf32, #tpu.memory_space<hbm>>
      %dma_wait3A_215 = arith.constant 0 : i32
      %dma_wait3A_216 = tpu.memref_slice %arg9[%mul3A_205, %dma_wait3A_215] : memref<1024x128xf32, #tpu.memory_space<hbm>> -> memref<32x128xf32, #tpu.memory_space<hbm>>
      tpu.wait_dma2 semaphore(%run_scoped3A : memref<!tpu.dma_semaphore, #tpu.memory_space<semaphore_mem>>) src(%arg14 : memref<32x128xf32, #tpu.memory_space<vmem>>) dst(%dma_wait3A_216 : memref<32x128xf32, #tpu.memory_space<hbm>>)
      tpu.yield
    }) : () -> ()
    return
  }
}

module attributes {stable_mosaic.version = 14 : i64} {
  func.func @_tc_fin_body(%arg0: i32, %arg1: memref<2048x128xf32, #tpu.memory_space<vmem>>, %arg2: memref<1024x128xf32, #tpu.memory_space<vmem>>, %arg3: memref<1024x128xf32, #tpu.memory_space<vmem>>, %arg4: memref<1024x128xf32, #tpu.memory_space<vmem>>, %arg5: memref<1x1xf32, #tpu.memory_space<smem>>) attributes {dimension_semantics = [#tpu.dimension_semantics<arbitrary>], iteration_bounds = array<i64: 1>, scalar_prefetch = 0 : i64, scratch_operands = 0 : i64, tpu.core_type = #tpu.core_type<tc>, window_params = [{transform_indices = @transform_0, window_bounds = array<i64: 2048, 128>}, {pipeline_mode = #tpu.pipeline_mode<synchronous>, transform_indices = @transform_1, window_bounds = array<i64: 1024, 128>}, {pipeline_mode = #tpu.pipeline_mode<synchronous>, transform_indices = @transform_2, window_bounds = array<i64: 1024, 128>}, {pipeline_mode = #tpu.pipeline_mode<synchronous>, transform_indices = @transform_3, window_bounds = array<i64: 1024, 128>}, {transform_indices = @transform_4, window_bounds = array<i64: 1, 1>}]} {
    %get3A = arith.constant 0 : index
    %get3A_0 = arith.constant 0 : index
    %get3A_1 = vector.load %arg3[%get3A, %get3A_0] : memref<1024x128xf32, #tpu.memory_space<vmem>>, vector<1024x128xf32>
    %mul3A = arith.constant 0.72134751 : f32
    %mul3A_2 = vector.broadcast %mul3A : f32 to vector<1024x128xf32>
    %mul3A_3 = arith.mulf %get3A_1, %mul3A_2 : vector<1024x128xf32>
    %convert_element_type3A = arith.truncf %mul3A_3 : vector<1024x128xf32> to vector<1024x128xbf16>
    %get3A_4 = arith.constant 0 : index
    %get3A_5 = arith.constant 0 : index
    %get3A_6 = vector.load %arg1[%get3A_4, %get3A_5] : memref<2048x128xf32, #tpu.memory_space<vmem>>, vector<2048x128xf32>
    %convert_element_type3A_7 = arith.truncf %get3A_6 : vector<2048x128xf32> to vector<2048x128xbf16>
    %dot_general3A = arith.constant dense<0.000000e+00> : vector<1024x2048xf32>
    %dot_general3A_8 = tpu.matmul %convert_element_type3A, %convert_element_type3A_7, %dot_general3A {dimension_numbers = #tpu.dot_dimension_numbers<[1], [1], [0], [0], [0, 0, 1, 0], [], []>, transpose_lhs_hint = false} : vector<1024x128xbf16>, vector<2048x128xbf16>, vector<1024x2048xf32> -> vector<1024x2048xf32>
    %iota3A = tpu.iota {dimensions = array<i32: 1>} : vector<1024x2048xi32>
    %lt3A = arith.constant 1696 : i32
    %lt3A_9 = vector.broadcast %lt3A : i32 to vector<1024x2048xi32>
    %lt3A_10 = arith.cmpi slt, %iota3A, %lt3A_9 : vector<1024x2048xi32>
    %exp23A = math.exp2 %dot_general3A_8 : vector<1024x2048xf32>
    %jit3A = arith.constant 0.000000e+00 : f32
    %broadcast_in_dim3A = vector.broadcast %jit3A : f32 to vector<1024x2048xf32>
    %select_n3A = arith.select %lt3A_10, %exp23A, %broadcast_in_dim3A : vector<1024x2048xi1>, vector<1024x2048xf32>
    %slice3A = vector.extract_strided_slice %select_n3A {offsets = [0, 0], sizes = [1024, 128], strides = [1, 1]} : vector<1024x2048xf32> to vector<1024x128xf32>
    %slice3A_11 = vector.extract_strided_slice %select_n3A {offsets = [0, 128], sizes = [1024, 128], strides = [1, 1]} : vector<1024x2048xf32> to vector<1024x128xf32>
    %add3A = arith.addf %slice3A, %slice3A_11 : vector<1024x128xf32>
    %slice3A_12 = vector.extract_strided_slice %select_n3A {offsets = [0, 256], sizes = [1024, 128], strides = [1, 1]} : vector<1024x2048xf32> to vector<1024x128xf32>
    %add3A_13 = arith.addf %add3A, %slice3A_12 : vector<1024x128xf32>
    %slice3A_14 = vector.extract_strided_slice %select_n3A {offsets = [0, 384], sizes = [1024, 128], strides = [1, 1]} : vector<1024x2048xf32> to vector<1024x128xf32>
    %add3A_15 = arith.addf %add3A_13, %slice3A_14 : vector<1024x128xf32>
    %slice3A_16 = vector.extract_strided_slice %select_n3A {offsets = [0, 512], sizes = [1024, 128], strides = [1, 1]} : vector<1024x2048xf32> to vector<1024x128xf32>
    %add3A_17 = arith.addf %add3A_15, %slice3A_16 : vector<1024x128xf32>
    %slice3A_18 = vector.extract_strided_slice %select_n3A {offsets = [0, 640], sizes = [1024, 128], strides = [1, 1]} : vector<1024x2048xf32> to vector<1024x128xf32>
    %add3A_19 = arith.addf %add3A_17, %slice3A_18 : vector<1024x128xf32>
    %slice3A_20 = vector.extract_strided_slice %select_n3A {offsets = [0, 768], sizes = [1024, 128], strides = [1, 1]} : vector<1024x2048xf32> to vector<1024x128xf32>
    %add3A_21 = arith.addf %add3A_19, %slice3A_20 : vector<1024x128xf32>
    %slice3A_22 = vector.extract_strided_slice %select_n3A {offsets = [0, 896], sizes = [1024, 128], strides = [1, 1]} : vector<1024x2048xf32> to vector<1024x128xf32>
    %add3A_23 = arith.addf %add3A_21, %slice3A_22 : vector<1024x128xf32>
    %slice3A_24 = vector.extract_strided_slice %select_n3A {offsets = [0, 1024], sizes = [1024, 128], strides = [1, 1]} : vector<1024x2048xf32> to vector<1024x128xf32>
    %add3A_25 = arith.addf %add3A_23, %slice3A_24 : vector<1024x128xf32>
    %slice3A_26 = vector.extract_strided_slice %select_n3A {offsets = [0, 1152], sizes = [1024, 128], strides = [1, 1]} : vector<1024x2048xf32> to vector<1024x128xf32>
    %add3A_27 = arith.addf %add3A_25, %slice3A_26 : vector<1024x128xf32>
    %slice3A_28 = vector.extract_strided_slice %select_n3A {offsets = [0, 1280], sizes = [1024, 128], strides = [1, 1]} : vector<1024x2048xf32> to vector<1024x128xf32>
    %add3A_29 = arith.addf %add3A_27, %slice3A_28 : vector<1024x128xf32>
    %slice3A_30 = vector.extract_strided_slice %select_n3A {offsets = [0, 1408], sizes = [1024, 128], strides = [1, 1]} : vector<1024x2048xf32> to vector<1024x128xf32>
    %add3A_31 = arith.addf %add3A_29, %slice3A_30 : vector<1024x128xf32>
    %slice3A_32 = vector.extract_strided_slice %select_n3A {offsets = [0, 1536], sizes = [1024, 128], strides = [1, 1]} : vector<1024x2048xf32> to vector<1024x128xf32>
    %add3A_33 = arith.addf %add3A_31, %slice3A_32 : vector<1024x128xf32>
    %slice3A_34 = vector.extract_strided_slice %select_n3A {offsets = [0, 1664], sizes = [1024, 128], strides = [1, 1]} : vector<1024x2048xf32> to vector<1024x128xf32>
    %add3A_35 = arith.addf %add3A_33, %slice3A_34 : vector<1024x128xf32>
    %slice3A_36 = vector.extract_strided_slice %select_n3A {offsets = [0, 1792], sizes = [1024, 128], strides = [1, 1]} : vector<1024x2048xf32> to vector<1024x128xf32>
    %add3A_37 = arith.addf %add3A_35, %slice3A_36 : vector<1024x128xf32>
    %slice3A_38 = vector.extract_strided_slice %select_n3A {offsets = [0, 1920], sizes = [1024, 128], strides = [1, 1]} : vector<1024x2048xf32> to vector<1024x128xf32>
    %add3A_39 = arith.addf %add3A_37, %slice3A_38 : vector<1024x128xf32>
    %get3A_40 = arith.constant 0 : index
    %get3A_41 = arith.constant 0 : index
    %get3A_42 = vector.load %arg2[%get3A_40, %get3A_41] : memref<1024x128xf32, #tpu.memory_space<vmem>>, vector<1024x128xf32>
    %add3A_43 = arith.addf %get3A_42, %add3A_39 : vector<1024x128xf32>
    %reduce_sum3A = arith.constant dense<0.000000e+00> : vector<1024xf32>
    %reduce_sum3A_44 = vector.multi_reduction <add>, %add3A_43, %reduce_sum3A [1] : vector<1024x128xf32> to vector<1024xf32>
    %broadcast_in_dim3A_45 = vector.shape_cast %reduce_sum3A_44 : vector<1024xf32> to vector<1024x1xf32>
    %get3A_46 = arith.constant 0 : index
    %get3A_47 = arith.constant 0 : index
    %get3A_48 = vector.load %arg3[%get3A_46, %get3A_47] : memref<1024x128xf32, #tpu.memory_space<vmem>>, vector<1024x128xf32>
    %get3A_49 = arith.constant 0 : index
    %get3A_50 = arith.constant 0 : index
    %get3A_51 = vector.load %arg4[%get3A_49, %get3A_50] : memref<1024x128xf32, #tpu.memory_space<vmem>>, vector<1024x128xf32>
    %mul3A_52 = arith.mulf %get3A_48, %get3A_51 : vector<1024x128xf32>
    %reduce_sum3A_53 = arith.constant dense<0.000000e+00> : vector<1024xf32>
    %reduce_sum3A_54 = vector.multi_reduction <add>, %mul3A_52, %reduce_sum3A_53 [1] : vector<1024x128xf32> to vector<1024xf32>
    %broadcast_in_dim3A_55 = vector.shape_cast %reduce_sum3A_54 : vector<1024xf32> to vector<1024x1xf32>
    %mul3A_56 = arith.constant 0.72134751 : f32
    %mul3A_57 = vector.broadcast %mul3A_56 : f32 to vector<1024x1xf32>
    %mul3A_58 = arith.mulf %mul3A_57, %broadcast_in_dim3A_55 : vector<1024x1xf32>
    %log3A = math.log %broadcast_in_dim3A_45 : vector<1024x1xf32>
    %exp23A_59 = math.exp2 %mul3A_58 : vector<1024x1xf32>
    %mul3A_60 = arith.constant 9.99999971E-10 : f32
    %mul3A_61 = vector.broadcast %mul3A_60 : f32 to vector<1024x1xf32>
    %mul3A_62 = arith.mulf %mul3A_61, %broadcast_in_dim3A_45 : vector<1024x1xf32>
    %add3A_63 = arith.addf %exp23A_59, %mul3A_62 : vector<1024x1xf32>
    %log3A_64 = math.log %add3A_63 : vector<1024x1xf32>
    %sub3A = arith.subf %log3A, %log3A_64 : vector<1024x1xf32>
    %reduce_sum3A_65 = vector.shape_cast %sub3A : vector<1024x1xf32> to vector<1x1024x1xf32>
    %reduce_sum3A_66 = arith.constant dense<0.000000e+00> : vector<1xf32>
    %reduce_sum3A_67 = vector.multi_reduction <add>, %reduce_sum3A_65, %reduce_sum3A_66 [1, 2] : vector<1x1024x1xf32> to vector<1xf32>
    %reduce_sum3A_68 = vector.shape_cast %reduce_sum3A_67 : vector<1xf32> to vector<1x1x1xf32>
    %reduce_sum3A_69 = vector.extract %reduce_sum3A_68[0, 0, 0] : f32 from vector<1x1x1xf32>
    %mul3A_70 = arith.constant 9.765625E-4 : f32
    %mul3A_71 = arith.mulf %reduce_sum3A_69, %mul3A_70 : f32
    %swap3A = arith.constant 0 : index
    %swap3A_72 = arith.constant 0 : index
    %swap3A_73 = memref.load %arg5[%swap3A, %swap3A_72] : memref<1x1xf32, #tpu.memory_space<smem>>
    memref.store %mul3A_71, %arg5[%swap3A, %swap3A_72] : memref<1x1xf32, #tpu.memory_space<smem>>
    return
  }
  func.func @transform_0(%arg0: i32) -> (i32, i32) {
    %c47_i32 = arith.constant 47 : i32
    %c0_i32 = arith.constant 0 : i32
    %c0_i32_0 = arith.constant 0 : i32
    return %c47_i32, %c0_i32 : i32, i32
  }
  func.func @transform_1(%arg0: i32) -> (i32, i32) {
    %c0_i32 = arith.constant 0 : i32
    %c0_i32_0 = arith.constant 0 : i32
    %c0_i32_1 = arith.constant 0 : i32
    return %c0_i32, %c0_i32_0 : i32, i32
  }
  func.func @transform_2(%arg0: i32) -> (i32, i32) {
    %c0_i32 = arith.constant 0 : i32
    %c0_i32_0 = arith.constant 0 : i32
    %c0_i32_1 = arith.constant 0 : i32
    return %c0_i32, %c0_i32_0 : i32, i32
  }
  func.func @transform_3(%arg0: i32) -> (i32, i32) {
    %c0_i32 = arith.constant 0 : i32
    %c0_i32_0 = arith.constant 0 : i32
    %c0_i32_1 = arith.constant 0 : i32
    return %c0_i32, %c0_i32_0 : i32, i32
  }
  func.func @transform_4(%arg0: i32) -> (i32, i32) {
    %c0_i32 = arith.constant 0 : i32
    %c0_i32_0 = arith.constant 0 : i32
    %c0_i32_1 = arith.constant 0 : i32
    return %c0_i32, %c0_i32_0 : i32, i32
  }
}

module attributes {stable_mosaic.version = 14 : i64} {
  func.func @_tc_main_body(%arg0: i32, %arg1: memref<8192x128xf32, #tpu.memory_space<vmem>>, %arg2: memref<1024x128xf32, #tpu.memory_space<vmem>>, %arg3: memref<1024x128xf32, #tpu.memory_space<vmem>>, %arg4: memref<1024x128xf8E5M2, #tpu.memory_space<vmem>>) attributes {dimension_semantics = [#tpu.dimension_semantics<arbitrary>], iteration_bounds = array<i64: 12>, scalar_prefetch = 0 : i64, scratch_operands = 1 : i64, tpu.core_type = #tpu.core_type<tc>, window_params = [{transform_indices = @transform_0, window_bounds = array<i64: 8192, 128>}, {pipeline_mode = #tpu.pipeline_mode<synchronous>, transform_indices = @transform_1, window_bounds = array<i64: 1024, 128>}, {pipeline_mode = #tpu.pipeline_mode<synchronous>, transform_indices = @transform_2, window_bounds = array<i64: 1024, 128>}]} {
    %eq3A = arith.constant 0 : i32
    %eq3A_0 = arith.cmpi eq, %arg0, %eq3A : i32
    %convert_element_type3A = arith.extui %eq3A_0 : i1 to i32
    %cond3A = arith.constant 0 : i32
    %cond3A_1 = arith.cmpi ne, %convert_element_type3A, %cond3A : i32
    scf.if %cond3A_1 {
      %get3A_142 = arith.constant 0 : index
      %get3A_143 = arith.constant 0 : index
      %get3A_144 = vector.load %arg2[%get3A_142, %get3A_143] : memref<1024x128xf32, #tpu.memory_space<vmem>>, vector<1024x128xf32>
      %mul3A = arith.constant 0.72134751 : f32
      %mul3A_145 = vector.broadcast %mul3A : f32 to vector<1024x128xf32>
      %mul3A_146 = arith.mulf %get3A_144, %mul3A_145 : vector<1024x128xf32>
      %convert_element_type3A_147 = arith.truncf %mul3A_146 : vector<1024x128xf32> to vector<1024x128xf8E5M2>
      %swap3A_148 = arith.constant 0 : index
      %swap3A_149 = arith.constant 0 : index
      %swap3A_150 = vector.load %arg4[%swap3A_148, %swap3A_149] : memref<1024x128xf8E5M2, #tpu.memory_space<vmem>>, vector<1024x128xf8E5M2>
      tpu.vector_store %arg4[%swap3A_148, %swap3A_149], %convert_element_type3A_147 {strides = array<i32>} : memref<1024x128xf8E5M2, #tpu.memory_space<vmem>>, vector<1024x128xf8E5M2>,
      %broadcast_in_dim3A = arith.constant 0.000000e+00 : f32
      %broadcast_in_dim3A_151 = vector.broadcast %broadcast_in_dim3A : f32 to vector<1024x128xf32>
      %swap3A_152 = arith.constant 0 : index
      %swap3A_153 = arith.constant 0 : index
      %swap3A_154 = vector.load %arg3[%swap3A_152, %swap3A_153] : memref<1024x128xf32, #tpu.memory_space<vmem>>, vector<1024x128xf32>
      tpu.vector_store %arg3[%swap3A_152, %swap3A_153], %broadcast_in_dim3A_151 {strides = array<i32>} : memref<1024x128xf32, #tpu.memory_space<vmem>>, vector<1024x128xf32>,
    } else {
    }
    %get3A = arith.constant 0 : index
    %get3A_2 = arith.constant 0 : index
    %get3A_3 = vector.load %arg1[%get3A, %get3A_2] : memref<8192x128xf32, #tpu.memory_space<vmem>>, vector<8192x128xf32>
    %convert_element_type3A_4 = arith.truncf %get3A_3 : vector<8192x128xf32> to vector<8192x128xf8E5M2>
    %get3A_5 = arith.constant 0 : index
    %get3A_6 = arith.constant 0 : index
    %get3A_7 = vector.load %arg4[%get3A_5, %get3A_6] : memref<1024x128xf8E5M2, #tpu.memory_space<vmem>>, vector<1024x128xf8E5M2>
    %dot_general3A = arith.constant dense<0.000000e+00> : vector<1024x8192xf32>
    %dot_general3A_8 = tpu.matmul %get3A_7, %convert_element_type3A_4, %dot_general3A {dimension_numbers = #tpu.dot_dimension_numbers<[1], [1], [0], [0], [0, 0, 1, 0], [], []>, transpose_lhs_hint = false} : vector<1024x128xf8E5M2>, vector<8192x128xf8E5M2>, vector<1024x8192xf32> -> vector<1024x8192xf32>
    %convert_element_type3A_9 = arith.truncf %dot_general3A_8 : vector<1024x8192xf32> to vector<1024x8192xbf16>
    %exp23A = math.exp2 %convert_element_type3A_9 : vector<1024x8192xbf16>
    %slice3A = vector.extract_strided_slice %exp23A {offsets = [0, 0], sizes = [1024, 128], strides = [1, 1]} : vector<1024x8192xbf16> to vector<1024x128xbf16>
    %slice3A_10 = vector.extract_strided_slice %exp23A {offsets = [0, 128], sizes = [1024, 128], strides = [1, 1]} : vector<1024x8192xbf16> to vector<1024x128xbf16>
    %slice3A_11 = vector.extract_strided_slice %exp23A {offsets = [0, 256], sizes = [1024, 128], strides = [1, 1]} : vector<1024x8192xbf16> to vector<1024x128xbf16>
    %slice3A_12 = vector.extract_strided_slice %exp23A {offsets = [0, 384], sizes = [1024, 128], strides = [1, 1]} : vector<1024x8192xbf16> to vector<1024x128xbf16>
    %slice3A_13 = vector.extract_strided_slice %exp23A {offsets = [0, 512], sizes = [1024, 128], strides = [1, 1]} : vector<1024x8192xbf16> to vector<1024x128xbf16>
    %slice3A_14 = vector.extract_strided_slice %exp23A {offsets = [0, 640], sizes = [1024, 128], strides = [1, 1]} : vector<1024x8192xbf16> to vector<1024x128xbf16>
    %slice3A_15 = vector.extract_strided_slice %exp23A {offsets = [0, 768], sizes = [1024, 128], strides = [1, 1]} : vector<1024x8192xbf16> to vector<1024x128xbf16>
    %slice3A_16 = vector.extract_strided_slice %exp23A {offsets = [0, 896], sizes = [1024, 128], strides = [1, 1]} : vector<1024x8192xbf16> to vector<1024x128xbf16>
    %slice3A_17 = vector.extract_strided_slice %exp23A {offsets = [0, 1024], sizes = [1024, 128], strides = [1, 1]} : vector<1024x8192xbf16> to vector<1024x128xbf16>
    %slice3A_18 = vector.extract_strided_slice %exp23A {offsets = [0, 1152], sizes = [1024, 128], strides = [1, 1]} : vector<1024x8192xbf16> to vector<1024x128xbf16>
    %slice3A_19 = vector.extract_strided_slice %exp23A {offsets = [0, 1280], sizes = [1024, 128], strides = [1, 1]} : vector<1024x8192xbf16> to vector<1024x128xbf16>
    %slice3A_20 = vector.extract_strided_slice %exp23A {offsets = [0, 1408], sizes = [1024, 128], strides = [1, 1]} : vector<1024x8192xbf16> to vector<1024x128xbf16>
    %slice3A_21 = vector.extract_strided_slice %exp23A {offsets = [0, 1536], sizes = [1024, 128], strides = [1, 1]} : vector<1024x8192xbf16> to vector<1024x128xbf16>
    %slice3A_22 = vector.extract_strided_slice %exp23A {offsets = [0, 1664], sizes = [1024, 128], strides = [1, 1]} : vector<1024x8192xbf16> to vector<1024x128xbf16>
    %slice3A_23 = vector.extract_strided_slice %exp23A {offsets = [0, 1792], sizes = [1024, 128], strides = [1, 1]} : vector<1024x8192xbf16> to vector<1024x128xbf16>
    %slice3A_24 = vector.extract_strided_slice %exp23A {offsets = [0, 1920], sizes = [1024, 128], strides = [1, 1]} : vector<1024x8192xbf16> to vector<1024x128xbf16>
    %slice3A_25 = vector.extract_strided_slice %exp23A {offsets = [0, 2048], sizes = [1024, 128], strides = [1, 1]} : vector<1024x8192xbf16> to vector<1024x128xbf16>
    %slice3A_26 = vector.extract_strided_slice %exp23A {offsets = [0, 2176], sizes = [1024, 128], strides = [1, 1]} : vector<1024x8192xbf16> to vector<1024x128xbf16>
    %slice3A_27 = vector.extract_strided_slice %exp23A {offsets = [0, 2304], sizes = [1024, 128], strides = [1, 1]} : vector<1024x8192xbf16> to vector<1024x128xbf16>
    %slice3A_28 = vector.extract_strided_slice %exp23A {offsets = [0, 2432], sizes = [1024, 128], strides = [1, 1]} : vector<1024x8192xbf16> to vector<1024x128xbf16>
    %slice3A_29 = vector.extract_strided_slice %exp23A {offsets = [0, 2560], sizes = [1024, 128], strides = [1, 1]} : vector<1024x8192xbf16> to vector<1024x128xbf16>
    %slice3A_30 = vector.extract_strided_slice %exp23A {offsets = [0, 2688], sizes = [1024, 128], strides = [1, 1]} : vector<1024x8192xbf16> to vector<1024x128xbf16>
    %slice3A_31 = vector.extract_strided_slice %exp23A {offsets = [0, 2816], sizes = [1024, 128], strides = [1, 1]} : vector<1024x8192xbf16> to vector<1024x128xbf16>
    %slice3A_32 = vector.extract_strided_slice %exp23A {offsets = [0, 2944], sizes = [1024, 128], strides = [1, 1]} : vector<1024x8192xbf16> to vector<1024x128xbf16>
    %slice3A_33 = vector.extract_strided_slice %exp23A {offsets = [0, 3072], sizes = [1024, 128], strides = [1, 1]} : vector<1024x8192xbf16> to vector<1024x128xbf16>
    %slice3A_34 = vector.extract_strided_slice %exp23A {offsets = [0, 3200], sizes = [1024, 128], strides = [1, 1]} : vector<1024x8192xbf16> to vector<1024x128xbf16>
    %slice3A_35 = vector.extract_strided_slice %exp23A {offsets = [0, 3328], sizes = [1024, 128], strides = [1, 1]} : vector<1024x8192xbf16> to vector<1024x128xbf16>
    %slice3A_36 = vector.extract_strided_slice %exp23A {offsets = [0, 3456], sizes = [1024, 128], strides = [1, 1]} : vector<1024x8192xbf16> to vector<1024x128xbf16>
    %slice3A_37 = vector.extract_strided_slice %exp23A {offsets = [0, 3584], sizes = [1024, 128], strides = [1, 1]} : vector<1024x8192xbf16> to vector<1024x128xbf16>
    %slice3A_38 = vector.extract_strided_slice %exp23A {offsets = [0, 3712], sizes = [1024, 128], strides = [1, 1]} : vector<1024x8192xbf16> to vector<1024x128xbf16>
    %slice3A_39 = vector.extract_strided_slice %exp23A {offsets = [0, 3840], sizes = [1024, 128], strides = [1, 1]} : vector<1024x8192xbf16> to vector<1024x128xbf16>
    %slice3A_40 = vector.extract_strided_slice %exp23A {offsets = [0, 3968], sizes = [1024, 128], strides = [1, 1]} : vector<1024x8192xbf16> to vector<1024x128xbf16>
    %slice3A_41 = vector.extract_strided_slice %exp23A {offsets = [0, 4096], sizes = [1024, 128], strides = [1, 1]} : vector<1024x8192xbf16> to vector<1024x128xbf16>
    %slice3A_42 = vector.extract_strided_slice %exp23A {offsets = [0, 4224], sizes = [1024, 128], strides = [1, 1]} : vector<1024x8192xbf16> to vector<1024x128xbf16>
    %slice3A_43 = vector.extract_strided_slice %exp23A {offsets = [0, 4352], sizes = [1024, 128], strides = [1, 1]} : vector<1024x8192xbf16> to vector<1024x128xbf16>
    %slice3A_44 = vector.extract_strided_slice %exp23A {offsets = [0, 4480], sizes = [1024, 128], strides = [1, 1]} : vector<1024x8192xbf16> to vector<1024x128xbf16>
    %slice3A_45 = vector.extract_strided_slice %exp23A {offsets = [0, 4608], sizes = [1024, 128], strides = [1, 1]} : vector<1024x8192xbf16> to vector<1024x128xbf16>
    %slice3A_46 = vector.extract_strided_slice %exp23A {offsets = [0, 4736], sizes = [1024, 128], strides = [1, 1]} : vector<1024x8192xbf16> to vector<1024x128xbf16>
    %slice3A_47 = vector.extract_strided_slice %exp23A {offsets = [0, 4864], sizes = [1024, 128], strides = [1, 1]} : vector<1024x8192xbf16> to vector<1024x128xbf16>
    %slice3A_48 = vector.extract_strided_slice %exp23A {offsets = [0, 4992], sizes = [1024, 128], strides = [1, 1]} : vector<1024x8192xbf16> to vector<1024x128xbf16>
    %slice3A_49 = vector.extract_strided_slice %exp23A {offsets = [0, 5120], sizes = [1024, 128], strides = [1, 1]} : vector<1024x8192xbf16> to vector<1024x128xbf16>
    %slice3A_50 = vector.extract_strided_slice %exp23A {offsets = [0, 5248], sizes = [1024, 128], strides = [1, 1]} : vector<1024x8192xbf16> to vector<1024x128xbf16>
    %slice3A_51 = vector.extract_strided_slice %exp23A {offsets = [0, 5376], sizes = [1024, 128], strides = [1, 1]} : vector<1024x8192xbf16> to vector<1024x128xbf16>
    %slice3A_52 = vector.extract_strided_slice %exp23A {offsets = [0, 5504], sizes = [1024, 128], strides = [1, 1]} : vector<1024x8192xbf16> to vector<1024x128xbf16>
    %slice3A_53 = vector.extract_strided_slice %exp23A {offsets = [0, 5632], sizes = [1024, 128], strides = [1, 1]} : vector<1024x8192xbf16> to vector<1024x128xbf16>
    %slice3A_54 = vector.extract_strided_slice %exp23A {offsets = [0, 5760], sizes = [1024, 128], strides = [1, 1]} : vector<1024x8192xbf16> to vector<1024x128xbf16>
    %slice3A_55 = vector.extract_strided_slice %exp23A {offsets = [0, 5888], sizes = [1024, 128], strides = [1, 1]} : vector<1024x8192xbf16> to vector<1024x128xbf16>
    %slice3A_56 = vector.extract_strided_slice %exp23A {offsets = [0, 6016], sizes = [1024, 128], strides = [1, 1]} : vector<1024x8192xbf16> to vector<1024x128xbf16>
    %slice3A_57 = vector.extract_strided_slice %exp23A {offsets = [0, 6144], sizes = [1024, 128], strides = [1, 1]} : vector<1024x8192xbf16> to vector<1024x128xbf16>
    %slice3A_58 = vector.extract_strided_slice %exp23A {offsets = [0, 6272], sizes = [1024, 128], strides = [1, 1]} : vector<1024x8192xbf16> to vector<1024x128xbf16>
    %slice3A_59 = vector.extract_strided_slice %exp23A {offsets = [0, 6400], sizes = [1024, 128], strides = [1, 1]} : vector<1024x8192xbf16> to vector<1024x128xbf16>
    %slice3A_60 = vector.extract_strided_slice %exp23A {offsets = [0, 6528], sizes = [1024, 128], strides = [1, 1]} : vector<1024x8192xbf16> to vector<1024x128xbf16>
    %slice3A_61 = vector.extract_strided_slice %exp23A {offsets = [0, 6656], sizes = [1024, 128], strides = [1, 1]} : vector<1024x8192xbf16> to vector<1024x128xbf16>
    %slice3A_62 = vector.extract_strided_slice %exp23A {offsets = [0, 6784], sizes = [1024, 128], strides = [1, 1]} : vector<1024x8192xbf16> to vector<1024x128xbf16>
    %slice3A_63 = vector.extract_strided_slice %exp23A {offsets = [0, 6912], sizes = [1024, 128], strides = [1, 1]} : vector<1024x8192xbf16> to vector<1024x128xbf16>
    %slice3A_64 = vector.extract_strided_slice %exp23A {offsets = [0, 7040], sizes = [1024, 128], strides = [1, 1]} : vector<1024x8192xbf16> to vector<1024x128xbf16>
    %slice3A_65 = vector.extract_strided_slice %exp23A {offsets = [0, 7168], sizes = [1024, 128], strides = [1, 1]} : vector<1024x8192xbf16> to vector<1024x128xbf16>
    %slice3A_66 = vector.extract_strided_slice %exp23A {offsets = [0, 7296], sizes = [1024, 128], strides = [1, 1]} : vector<1024x8192xbf16> to vector<1024x128xbf16>
    %slice3A_67 = vector.extract_strided_slice %exp23A {offsets = [0, 7424], sizes = [1024, 128], strides = [1, 1]} : vector<1024x8192xbf16> to vector<1024x128xbf16>
    %slice3A_68 = vector.extract_strided_slice %exp23A {offsets = [0, 7552], sizes = [1024, 128], strides = [1, 1]} : vector<1024x8192xbf16> to vector<1024x128xbf16>
    %slice3A_69 = vector.extract_strided_slice %exp23A {offsets = [0, 7680], sizes = [1024, 128], strides = [1, 1]} : vector<1024x8192xbf16> to vector<1024x128xbf16>
    %slice3A_70 = vector.extract_strided_slice %exp23A {offsets = [0, 7808], sizes = [1024, 128], strides = [1, 1]} : vector<1024x8192xbf16> to vector<1024x128xbf16>
    %slice3A_71 = vector.extract_strided_slice %exp23A {offsets = [0, 7936], sizes = [1024, 128], strides = [1, 1]} : vector<1024x8192xbf16> to vector<1024x128xbf16>
    %slice3A_72 = vector.extract_strided_slice %exp23A {offsets = [0, 8064], sizes = [1024, 128], strides = [1, 1]} : vector<1024x8192xbf16> to vector<1024x128xbf16>
    %add3A = arith.addf %slice3A, %slice3A_10 : vector<1024x128xbf16>
    %add3A_73 = arith.addf %slice3A_11, %slice3A_12 : vector<1024x128xbf16>
    %add3A_74 = arith.addf %slice3A_13, %slice3A_14 : vector<1024x128xbf16>
    %add3A_75 = arith.addf %slice3A_15, %slice3A_16 : vector<1024x128xbf16>
    %add3A_76 = arith.addf %slice3A_17, %slice3A_18 : vector<1024x128xbf16>
    %add3A_77 = arith.addf %slice3A_19, %slice3A_20 : vector<1024x128xbf16>
    %add3A_78 = arith.addf %slice3A_21, %slice3A_22 : vector<1024x128xbf16>
    %add3A_79 = arith.addf %slice3A_23, %slice3A_24 : vector<1024x128xbf16>
    %add3A_80 = arith.addf %slice3A_25, %slice3A_26 : vector<1024x128xbf16>
    %add3A_81 = arith.addf %slice3A_27, %slice3A_28 : vector<1024x128xbf16>
    %add3A_82 = arith.addf %slice3A_29, %slice3A_30 : vector<1024x128xbf16>
    %add3A_83 = arith.addf %slice3A_31, %slice3A_32 : vector<1024x128xbf16>
    %add3A_84 = arith.addf %slice3A_33, %slice3A_34 : vector<1024x128xbf16>
    %add3A_85 = arith.addf %slice3A_35, %slice3A_36 : vector<1024x128xbf16>
    %add3A_86 = arith.addf %slice3A_37, %slice3A_38 : vector<1024x128xbf16>
    %add3A_87 = arith.addf %slice3A_39, %slice3A_40 : vector<1024x128xbf16>
    %add3A_88 = arith.addf %slice3A_41, %slice3A_42 : vector<1024x128xbf16>
    %add3A_89 = arith.addf %slice3A_43, %slice3A_44 : vector<1024x128xbf16>
    %add3A_90 = arith.addf %slice3A_45, %slice3A_46 : vector<1024x128xbf16>
    %add3A_91 = arith.addf %slice3A_47, %slice3A_48 : vector<1024x128xbf16>
    %add3A_92 = arith.addf %slice3A_49, %slice3A_50 : vector<1024x128xbf16>
    %add3A_93 = arith.addf %slice3A_51, %slice3A_52 : vector<1024x128xbf16>
    %add3A_94 = arith.addf %slice3A_53, %slice3A_54 : vector<1024x128xbf16>
    %add3A_95 = arith.addf %slice3A_55, %slice3A_56 : vector<1024x128xbf16>
    %add3A_96 = arith.addf %slice3A_57, %slice3A_58 : vector<1024x128xbf16>
    %add3A_97 = arith.addf %slice3A_59, %slice3A_60 : vector<1024x128xbf16>
    %add3A_98 = arith.addf %slice3A_61, %slice3A_62 : vector<1024x128xbf16>
    %add3A_99 = arith.addf %slice3A_63, %slice3A_64 : vector<1024x128xbf16>
    %add3A_100 = arith.addf %slice3A_65, %slice3A_66 : vector<1024x128xbf16>
    %add3A_101 = arith.addf %slice3A_67, %slice3A_68 : vector<1024x128xbf16>
    %add3A_102 = arith.addf %slice3A_69, %slice3A_70 : vector<1024x128xbf16>
    %add3A_103 = arith.addf %slice3A_71, %slice3A_72 : vector<1024x128xbf16>
    %add3A_104 = arith.addf %add3A, %add3A_73 : vector<1024x128xbf16>
    %add3A_105 = arith.addf %add3A_74, %add3A_75 : vector<1024x128xbf16>
    %add3A_106 = arith.addf %add3A_76, %add3A_77 : vector<1024x128xbf16>
    %add3A_107 = arith.addf %add3A_78, %add3A_79 : vector<1024x128xbf16>
    %add3A_108 = arith.addf %add3A_80, %add3A_81 : vector<1024x128xbf16>
    %add3A_109 = arith.addf %add3A_82, %add3A_83 : vector<1024x128xbf16>
    %add3A_110 = arith.addf %add3A_84, %add3A_85 : vector<1024x128xbf16>
    %add3A_111 = arith.addf %add3A_86, %add3A_87 : vector<1024x128xbf16>
    %add3A_112 = arith.addf %add3A_88, %add3A_89 : vector<1024x128xbf16>
    %add3A_113 = arith.addf %add3A_90, %add3A_91 : vector<1024x128xbf16>
    %add3A_114 = arith.addf %add3A_92, %add3A_93 : vector<1024x128xbf16>
    %add3A_115 = arith.addf %add3A_94, %add3A_95 : vector<1024x128xbf16>
    %add3A_116 = arith.addf %add3A_96, %add3A_97 : vector<1024x128xbf16>
    %add3A_117 = arith.addf %add3A_98, %add3A_99 : vector<1024x128xbf16>
    %add3A_118 = arith.addf %add3A_100, %add3A_101 : vector<1024x128xbf16>
    %add3A_119 = arith.addf %add3A_102, %add3A_103 : vector<1024x128xbf16>
    %add3A_120 = arith.addf %add3A_104, %add3A_105 : vector<1024x128xbf16>
    %add3A_121 = arith.addf %add3A_106, %add3A_107 : vector<1024x128xbf16>
    %add3A_122 = arith.addf %add3A_108, %add3A_109 : vector<1024x128xbf16>
    %add3A_123 = arith.addf %add3A_110, %add3A_111 : vector<1024x128xbf16>
    %add3A_124 = arith.addf %add3A_112, %add3A_113 : vector<1024x128xbf16>
    %add3A_125 = arith.addf %add3A_114, %add3A_115 : vector<1024x128xbf16>
    %add3A_126 = arith.addf %add3A_116, %add3A_117 : vector<1024x128xbf16>
    %add3A_127 = arith.addf %add3A_118, %add3A_119 : vector<1024x128xbf16>
    %add3A_128 = arith.addf %add3A_120, %add3A_121 : vector<1024x128xbf16>
    %add3A_129 = arith.addf %add3A_122, %add3A_123 : vector<1024x128xbf16>
    %add3A_130 = arith.addf %add3A_124, %add3A_125 : vector<1024x128xbf16>
    %add3A_131 = arith.addf %add3A_126, %add3A_127 : vector<1024x128xbf16>
    %add3A_132 = arith.addf %add3A_128, %add3A_129 : vector<1024x128xbf16>
    %add3A_133 = arith.addf %add3A_130, %add3A_131 : vector<1024x128xbf16>
    %add3A_134 = arith.addf %add3A_132, %add3A_133 : vector<1024x128xbf16>
    %get3A_135 = arith.constant 0 : index
    %get3A_136 = arith.constant 0 : index
    %get3A_137 = vector.load %arg3[%get3A_135, %get3A_136] : memref<1024x128xf32, #tpu.memory_space<vmem>>, vector<1024x128xf32>
    %convert_element_type3A_138 = arith.extf %add3A_134 : vector<1024x128xbf16> to vector<1024x128xf32>
    %add3A_139 = arith.addf %get3A_137, %convert_element_type3A_138 : vector<1024x128xf32>
    %swap3A = arith.constant 0 : index
    %swap3A_140 = arith.constant 0 : index
    %swap3A_141 = vector.load %arg3[%swap3A, %swap3A_140] : memref<1024x128xf32, #tpu.memory_space<vmem>>, vector<1024x128xf32>
    tpu.vector_store %arg3[%swap3A, %swap3A_140], %add3A_139 {strides = array<i32>} : memref<1024x128xf32, #tpu.memory_space<vmem>>, vector<1024x128xf32>,
    return
  }
  func.func @transform_0(%arg0: i32) -> (i32, i32) {
    %c0_i32 = arith.constant 0 : i32
    %c0_i32_0 = arith.constant 0 : i32
    return %arg0, %c0_i32 : i32, i32
  }
  func.func @transform_1(%arg0: i32) -> (i32, i32) {
    %c0_i32 = arith.constant 0 : i32
    %c0_i32_0 = arith.constant 0 : i32
    %c0_i32_1 = arith.constant 0 : i32
    return %c0_i32, %c0_i32_0 : i32, i32
  }
  func.func @transform_2(%arg0: i32) -> (i32, i32) {
    %c0_i32 = arith.constant 0 : i32
    %c0_i32_0 = arith.constant 0 : i32
    %c0_i32_1 = arith.constant 0 : i32
    return %c0_i32, %c0_i32_0 : i32, i32
  }
}

</mosaic_0001>

<sc_bundles>
// kernel: kernel.5.cloned.1.call-start
scs
__scs_entry_jumppad:
0x0: {  	(pc) =	sbr.rel $0x88, $3  }
0x1: {  	(tag) =	ssettag $0x0;
	lr =	simm.s32 $0x1  }
0x2: {  	[smem:$0x3F9D] =	sst lr;
	_ =	strace $0xD0000000  }
0x3: {  	_ = 	snop  }
0x4: {  	_ = 	snop  }
0x5: {  	_ = 	snop  }
0x6: {  	_ = 	snop  }
0x7: {  	_ = 	snop  }
__scs_overlays_trampoline_lowered:
0x8: {  	[smem:$0x3FAC] =	sst s0  }
0x9: {  	[smem:$0x3FAD] =	sst s1  }
0xa: {  	[smem:$0x3FAE] =	sst s2  }
0xb: {  	[smem:$0x3FAF] =	sst s3  }
0xc: {  	[smem:$0x3FB0] =	sst s4  }
0xd: {  	[smem:$0x3FB1] =	sst s5  }
0xe: {  	[smem:$0x3FB2] =	sst s6  }
0xf: {  	[smem:$0x3FB3] =	sst s7  }
0x10: {  	[smem:$0x3FB4] =	sst s8  }
0x11: {  	[smem:$0x3FB5] =	sst s9;
	s0 =	simm.s32 @!p0 $0x0  }
0x12: {  	s1 =	sld [smem:$0x3F9B];
	s0 =	simm.s32 @p0 $0x1  }
0x13: {  	[smem:$0x3FB6] =	sst s0;
	s0 =	simm.s32 @!p1 $0x0  }
0x14: {  	s2 =	sld [smem:$0x3F9A];
	s0 =	simm.s32 @p1 $0x1  }
0x15: {  	[smem:$0x3FB7] =	sst s0;
	s0 =	simm.s32 @!p2 $0x0  }
0x16: {  	s3 =	sld [smem:$0x3FDB];
	s0 =	simm.s32 @p2 $0x1  }
0x17: {  	s4 =	simm.s32 $0x1BF5;
	[smem:$0x3FB9] =	sst s0  }
0x18: {  	s0 =	sld [smem:$0x3F9C];
	_ =	swait.ge [sflag:s4], $0x0  }
0x19: {  	s7 =	sld [smem:$0x3F9D]  }
0x1a: {  	s8 =	sadd.s32 $0xFFFFE003, lr  }
0x1b: {  	s9 =	sadd.s32 $0xFFFFFEF7, lr;
	s5 =	simm.s32 $0xFFFFFFFF;
	p2 =	slt.u32 s8, $0xFFFFF086  }
0x1c: {  	p1 =	slt.u32 s9, $0xF7A;
	s5 =	simm.s32 @!p2 $0x0  }
0x1d: {  	s5 =	simm.s32 @p1 $0x1;
	p0 =	seq.s32 s7, s2  }
0x1e: {  	s7 =	smul.u32 @!p0 $0xF7A, s2;
	p2 =	seq.s32 @!p0 s5, $0x0  }
0x1f: {  	s9 =	smul.u32 $0xF7A, s1;
	s8 =	simm.s32 @!p0 $0x1BF5;
	p2 =	por !p2, p0  }
0x20: {  	[sflag:s8] =	ssyncset.s32 @!p0 $0xFFFFF086;
	s6 =	sadd.s32 @!p0 s3, s7;
	s7 =	simm.s32 @!p0 $0x108  }
0x21: {  	s3 =	sadd.s32 s3, s9;
	s6 =	sadd.s32 @!p0 $0x88, s6;
	s7 =	simm.s32 @p2 $0x1082  }
0x22: {  	[simem:s7], [sflag:s8] =	dma.local @!p0 [hbm:s6], $0xF7A  }
0x23: {  	s9 =	sor.u32 $0xD0000000, s2;
	s6 =	simm.s32 $0x108;
	_ =	swait.ge @!p0 [sflag:s8], $0x0  }
0x24: {  	s3 =	sadd.s32 $0x88, s3;
	s6 =	simm.s32 @!p1 $0x1082;
	[sflag:s4] =	ssyncset.s32 $0xFFFFF086  }
0x25: {  	[simem:s6], [sflag:s4] =	dma.local [hbm:s3], $0xF7A  }
0x26: {  	[smem:$0x3F9D] =	sst s1;
	(tag) =	ssettag s2;
	_ =	strace s9  }
0x27: {  	s1 =	sld [smem:$0x3FAD]  }
0x28: {  	s2 =	sld [smem:$0x3FAE]  }
0x29: {  	s4 =	sld [smem:$0x3FB0]  }
0x2a: {  	p0 =	seq.s32 s5, $0x0;
	s5 =	sld [smem:$0x3FB1]  }
0x2b: {  	s6 =	sld [smem:$0x3FB2]  }
0x2c: {  	s7 =	sld [smem:$0x3FB3]  }
0x2d: {  	s3 =	simm.s32 $0x108;
	s8 =	sld [smem:$0x3FB4]  }
0x2e: {  	s3 =	simm.s32 @!p0 $0x1082;
	s9 =	sld [smem:$0x3FB5]  }
0x2f: {  	lr =	sadd.s32 s0, s3;
	s0 =	sld [smem:$0x3FAC]  }
0x30: {  	s3 =	sld [smem:$0x3FAF]  }
0x31: {  	[smem:$0x3FB8] =	sst s10  }
0x32: {  	s10 =	sld [smem:$0x3FB6];
	_ =	sdelay $0x3  }
0x33: {  	p0 =	seq.s32 s10, $0x1;
	s10 =	sld [smem:$0x3FB8];
	_ =	sdelay $0x3  }
0x34: {  	[smem:$0x3FB8] =	sst s10  }
0x35: {  	s10 =	sld [smem:$0x3FB7];
	_ =	sdelay $0x3  }
0x36: {  	p1 =	seq.s32 s10, $0x1;
	s10 =	sld [smem:$0x3FB8];
	_ =	sdelay $0x3  }
0x37: {  	[smem:$0x3FB8] =	sst s10  }
0x38: {  	s10 =	sld [smem:$0x3FB9]  }
0x39: {  	_ = 	snop;
	(pc) =	sbr.ind lr, $3  }
0x3a: {  	_ = 	snop  }
0x3b: {  	_ = 	snop  }
0x3c: {  	p2 =	seq.s32 s10, $0x1;
	s10 =	sld [smem:$0x3FB8]  }
0x3d: {  	_ =	shalt  }
0x3e: {  	_ =	shalt  }
0x3f: {  	_ =	shalt  }
0x40: {  	_ =	shalt  }
0x41: {  	_ =	shalt  }
0x42: {  	_ =	shalt  }
0x43: {  	_ =	shalt  }
0x44: {  	_ =	shalt  }
0x45: {  	_ =	shalt  }
0x46: {  	_ =	shalt  }
0x47: {  	_ =	shalt  }
0x48: {  	_ =	shalt  }
0x49: {  	_ =	shalt  }
0x4a: {  	_ =	shalt  }
0x4b: {  	_ =	shalt  }
0x4c: {  	_ =	shalt  }
0x4d: {  	_ =	shalt  }
0x4e: {  	_ =	shalt  }
0x4f: {  	_ =	shalt  }
0x50: {  	_ =	shalt  }
0x51: {  	_ =	shalt  }
0x52: {  	_ =	shalt  }
0x53: {  	_ =	shalt  }
0x54: {  	_ =	shalt  }
0x55: {  	_ =	shalt  }
0x56: {  	_ =	shalt  }
0x57: {  	_ =	shalt  }
0x58: {  	_ =	shalt  }
0x59: {  	_ =	shalt  }
0x5a: {  	_ =	shalt  }
0x5b: {  	_ =	shalt  }
0x5c: {  	_ =	shalt  }
0x5d: {  	_ =	shalt  }
0x5e: {  	_ =	shalt  }
0x5f: {  	_ =	shalt  }
0x60: {  	_ =	shalt  }
0x61: {  	_ =	shalt  }
0x62: {  	_ =	shalt  }
0x63: {  	_ =	shalt  }
0x64: {  	_ =	shalt  }
0x65: {  	_ =	shalt  }
0x66: {  	_ =	shalt  }
0x67: {  	_ =	shalt  }
0x68: {  	_ =	shalt  }
0x69: {  	_ =	shalt  }
0x6a: {  	_ =	shalt  }
0x6b: {  	_ =	shalt  }
0x6c: {  	_ =	shalt  }
0x6d: {  	_ =	shalt  }
0x6e: {  	_ =	shalt  }
0x6f: {  	_ =	shalt  }
0x70: {  	_ =	shalt  }
0x71: {  	_ =	shalt  }
0x72: {  	_ =	shalt  }
0x73: {  	_ =	shalt  }
0x74: {  	_ =	shalt  }
0x75: {  	_ =	shalt  }
0x76: {  	_ =	shalt  }
0x77: {  	_ =	shalt  }
0x78: {  	_ =	shalt  }
0x79: {  	_ =	shalt  }
0x7a: {  	_ =	shalt  }
0x7b: {  	_ =	shalt  }
0x7c: {  	_ =	shalt  }
0x7d: {  	_ =	shalt  }
0x7e: {  	_ =	shalt  }
0x7f: {  	_ =	shalt  }
0x80: {  	_ =	shalt  }
0x81: {  	_ =	shalt  }
0x82: {  	_ =	shalt  }
0x83: {  	_ =	shalt  }
0x84: {  	_ =	shalt  }
0x85: {  	_ =	shalt  }
0x86: {  	_ =	shalt  }
0x87: {  	_ =	shalt  }
.Lfunc_end0:
.L_simem_size_0:
called_computation_lowered:
.L_overlay_start_0:
0x88: {  	s2 =	sld [smem:$0x3FD9]  }
0x89: {  	s3 =	sld [smem:$0x3FFE];
	_ =	sdelay $0x1  }
0x8a: {  	s1 =	srdreg.scid  }
0x8b: {  	s0 =	sand.u32 $0x1, s1  }
0x8c: {  	s17 =	sshll.u32 s0, $0xA;
	s2 =	sadd.s32 s3, s2  }
0x8d: {  	s2 =	sadd.s32 s2, s17  }
0x8e: {  	[smem:$0x3FC4] =	sst s2  }
0x8f: {  	_ = 	snop  }
0x90: {  	s2 =	sld [smem:$0x3FC9]  }
0x91: {  	s18 =	sld [smem:$0x3FC8];
	(tm) =	ssettm $0x1  }
0x92: {  	s4 =	sld [smem:$0x3FFB];
	_ =	sdelay $0x3  }
0x93: {  	_ =	strace s4  }
0x94: {  	s4 =	sld [smem:$0x3FFC];
	_ =	sdelay $0x3  }
0x95: {  	_ =	strace s4  }
0x96: {  	s4 =	sld [smem:$0x3FFD];
	_ =	sdelay $0x3  }
0x97: {  	_ =	strace s4  }
0x98: {  	_ =	strace $0x8FFFFFFF  }
0x99: {  	s19 =	sld [smem:$0x3FDB];
	_ =	sdelay $0x1  }
0x9a: {  	s5 =	simm.s32 $_scs_section_size  }
0x9b: {  	s6 =	simm.s32 $_size__tile_overlayer_lowered;
	s7 =	simm.s32 $_tile_overlayer_lowered  }
0x9c: {  	s22 =	simm.s32 $0x1BFF;
	s21 =	sshll.u32 s7, $0x1;
	s4 =	sadd.s32 s5, s19  }
0x9d: {  	s8 =	simm.s32 $0x0;
	s20 =	sshll.u32 s6, $0x1;
	s6 =	sadd.s32 s21, s4  }
0x9e: {  	[timem:s8], [sflag:s22] =	dma.local [hbm:s6], s20  }
0x9f: {  	_ =	swait.ge [sflag:s22], s20  }
0xa0: {  	s5 =	ssub.s32 $0x0, s20;
	[sflag:s22] =	ssyncset.done $0x0  }
0xa1: {  	[sflag:s22] =	ssyncadd.s32 s5;
	_ =	sdelay $0x1  }
0xa2: {  	s23 =	simm.s32 $0x1B8B  }
0xa3: {  	_ =	swait.ge [sflag:s23], $0x1  }
0xa4: {  	[sflag:s23] =	ssyncset.done $0x0  }
0xa5: {  	s25 =	simm.s32 $0x1B8E;
	s24 =	sld [smem:$0x3FFE];
	[sflag:s23] =	ssyncadd.s32 $0xFFFFFFFF  }
0xa6: {  	s26 =	simm.s32 $execute0_lowered;
	[smem:$0x3FD2] =	sst s25  }
0xa7: {  	s6 =	sshll.u32 s26, $0x1;
	_ =	strace $0x80000046;
	[dreg:$0x1] =	wrdreg $0xFFFFFFFF  }
0xa8: {  	s28 =	simm.s32 $_size_execute0_lowered;
	s4 =	sadd.s32 s4, s6;
	[dreg:$0x0] =	wrdreg $0x0  }
0xa9: {  	s6 =	sshll.u32 s28, $0x1;
	[dreg:$0x2] =	wrdreg s4  }
0xaa: {  	[dreg:$0x3] =	wrdreg s6  }
0xab: {  	[dreg:$0x4] =	wrdreg $0xC0  }
0xac: {  	_ =	task [dreg:s8], $0x5FFFF  }
0xad: {  	[dreg:$0x1] =	wrdreg $0xFFFFFFFF  }
0xae: {  	[dreg:$0x0] =	wrdreg $0x60  }
0xaf: {  	[dreg:$0x2] =	wrdreg s18  }
0xb0: {  	[dreg:$0x3] =	wrdreg s2  }
0xb1: {  	[dreg:$0x4] =	wrdreg s24  }
0xb2: {  	[dreg:$0x5] =	wrdreg $0x158800  }
0xb3: {  	[dreg:$0x6] =	wrdreg $0x9  }
0xb4: {  	_ =	task.clear_ibuf [dreg:s8], $0x7FFFF;
	_ =	strace $0x90000046  }
0xb5: {  	s29 =	simm.s32 $0x9;
	_ =	strace $0x80000048  }
0xb6: {  	_ =	swait.ge [sflag:s29], $0x1  }
0xb7: {  	[sflag:s29] =	ssyncadd.s32 $0xFFFFFFFF  }
0xb8: {  	_ =	strace $0x90000048  }
0xb9: {  	_ =	sfence  }
0xba: {  	s30 =	sld [smem:$0x0];
	_ =	sdelay $0x2  }
0xbb: {  	s31 =	sshll.u32 s1, $0xD;
	s1 =	sshrl.u32 s1, $0x2  }
0xbc: {  	s3 =	sand.u32 $0x4000, s31;
	s1 =	sadd.s32 s1, s30  }
0xbd: {  	s0 =	sor.u32 s3, s0;
	s1 =	sshll.u32 s1, $0x11  }
0xbe: {  	s0 =	sor.u32 s1, s0  }
0xbf: {  	s0 =	sadd.s32 $0x8F2B, s0  }
0xc0: {  	[sflag:s0] =	ssyncadd.remote.s32 $0x1  }
0xc1: {  	_ =	sfence.sel $0xFFFF  }
0xc2: {  	[dreg:$0x0] =	wrdreg $0xFFFFFFFF;
	(pc) =	sbr.abs _section_cstart, $3  }
0xc3: {  	[dreg:$0x1] =	wrdreg $0xFFFFFFFF  }
0xc4: {  	_ =	task.clear_ibuf [dreg:s8], $0x2FFFF;
	_ =	strace $0x9FFFFFFF  }
0xc5: {  	(tm) =	ssettm $0x7FFFFFFF  }
tec
execute0_lowered:
.L_overlay_start_1:
0x0: {  	(tag) =	ssettag $0x1  }
0x1: {  	s7 =	rddreg [dreg:$0x0]  }
0x2: {  	s0 =	rddreg [dreg:$0x1]  }
0x3: {  	s19 =	rddreg [dreg:$0x2]  }
0x4: {  	s3 =	rddreg [dreg:$0x3]  }
0x5: {  	s1 =	srdreg.scid;
	s10 =	stileid.u32  }
0x6: {  	s2 =	simm.s32 $0x0;
	s16 =	simm.s32 $0x400;
	s12 =	simm.s32 $0x80  }
0x7: {  	s17 =	simm.s32 $0x8800;
	s29 =	simm.s32 $0x180;
	s15 =	simm.s32 $0xC800  }
0x8: {  	s30 =	simm.s32 $0x200;
	s14 =	simm.s32 $0x10800;
	s31 =	simm.s32 $0x20  }
0x9: {  	s18 =	simm.s32 $0x1;
	p0 =	por $0x0, $0x0;
	s28 =	simm.s32 $0x480  }
0xa: {  	s13 =	simm.s32 $0x3;
	s11 =	simm.s32 $0x2;
	[dreg:$0x5] =	wrdreg s0  }
0xb: {  	s1 =	sand.u32 $0x1, s1;
	s4 =	sshll.u32 s10, $0x1;
	[smem:$0x7FF] =	sst s2  }
0xc: {  	s8 =	sadd.s32 $0x2E00, s19;
	s23 =	sshll.u32 s10, $0xC;
	s26 =	sshll.u32 s10, $0x6  }
0xd: {  	s10 =	simm.s32 $0x14880;
	s4 =	sor.u32 s1, s4;
	_ =	strace $0x80000047  }
0xe: {  	[dreg:$0x6] =	wrdreg s8;
	s1 =	ssub.s32 $0x2, s1;
	s9 =	sadd.s32 s23, s3  }
0xf: {  	s8 =	sor.u32 $0x1C04, s26;
	s26 =	simm.s32 $0x100;
	s23 =	simm.s32 $0x580  }
0x10: {  	s5 =	sshll.u32 s4, $0x4;
	s6 =	sshll.u32 s4, $0x7;
	s21 =	sshrl.u32 s1, $0x1  }
0x11: {  	s4 =	sshll.u32 s4, $0x9;
	s9 =	sshrl.u32 s9, $0x3;
	s1 =	ssub.s32 s1, s21  }
0x12: {  	s5 =	sadd.s32 s5, s19;
	s6 =	sadd.s32 s6, s19;
	s25 =	smax.u32 s1, $0x1  }
0x13: {  	s0 =	sadd.s32 s4, s19;
	s4 =	simm.s32 $0x4;
	p1 =	sne.s32 s25, $0x1  }
.Ltmp0:
0x14: {  	s21 =	simm.s32 $0x800;
	s19 =	simm.s32 $0x4800;
	(pc) =	sbr.rel @!p1 .LBB2_3-.Ltmp0, $4  }
0x15: {  	s20 =	sadd.s32 $0xE00, s6;
	s22 =	sadd.s32 $0x1E00, s6;
	s24 =	sadd.s32 $0xC00, s5  }
0x16: {  	s6 =	sadd.s32 $0x3000, s0;
	s5 =	sadd.s32 $0x7000, s0;
	[dreg:$0x7] =	wrdreg s20  }
0x17: {  	[dreg:$0x8] =	wrdreg s22;
	s20 =	simm.s32 $0x14800;
	s0 =	sadd.s32 $0xFFFFFFFF, s25  }
0x18: {  	s25 =	simm.s32 $0x500;
	s22 =	simm.s32 $0x600;
	s1 =	rddreg [dreg:$0x7]  }
0x19: {  	[tilespmem:s2], [sflag:$0x4] =	stream.linear.gather [hbm4b:s1+s2], $0x280, $0x38;
	[tilespmem:$0x16880] =	vst v63  }
0x1a: {  	_ =	swait.ge [sflag:s4], $0x280  }
0x1b: {  	[sflag:s4] =	ssyncset.done $0x0  }
0x1c: {  	s1 =	rddreg [dreg:$0x8];
	[sflag:s4] =	ssyncadd.s32 $0xFFFFFD80  }
0x1d: {  	[tilespmem:s16], [sflag:$0x4] =	stream.linear.gather [hbm4b:s1+s2], $0x280, $0x38;
	[tilespmem:$0x16880] =	vst v63  }
0x1e: {  	_ =	swait.ge [sflag:s4], $0x280  }
0x1f: {  	[sflag:s4] =	ssyncset.done $0x0  }
0x20: {  	[sflag:s4] =	ssyncadd.s32 $0xFFFFFD80  }
0x21: {  	[tilespmem:s20], [sflag:$0x4] =	stream.linear.gather [hbm4b:s24+s2], $0x80, $0x38;
	[tilespmem:$0x16880] =	vst v63  }
0x22: {  	_ =	swait.ge [sflag:s4], $0x80  }
0x23: {  	[sflag:s4] =	ssyncset.done $0x0  }
0x24: {  	s1 =	rddreg [dreg:$0x6];
	[sflag:s4] =	ssyncadd.s32 $0xFFFFFF80  }
0x25: {  	[spmem:s9], [sflag:s8] =	dma.local [hbm:s1], $0x200  }
0x26: {  	_ =	swait.ge [sflag:s4], $0x200  }
0x27: {  	[sflag:s4] =	ssyncset.done $0x0  }
0x28: {  	[sflag:s4] =	ssyncadd.s32 $0xFFFFFE00  }
0x29: {  	[tilespmem:s21], [sflag:$0x1] =	stream.indirect.gather [hbm4b:s7+s12], $0x80, s2, s12, $0xb8;
	[tilespmem:$0x16880] =	vst v63  }
0x2a: {  	_ = 	snop  }
0x2b: {  	[tilespmem:s19], [sflag:$0x1] =	stream.indirect.gather [hbm4b:s7+s12], $0x80, s12, s12, $0xb8;
	[tilespmem:$0x16880] =	vst v63  }
0x2c: {  	_ = 	snop  }
0x2d: {  	[tilespmem:s17], [sflag:$0x1] =	stream.indirect.gather [hbm4b:s7+s12], $0x80, s26, s12, $0xb8;
	[tilespmem:$0x16880] =	vst v63  }
0x2e: {  	_ = 	snop  }
0x2f: {  	[tilespmem:s15], [sflag:$0x1] =	stream.indirect.gather [hbm4b:s7+s12], $0x80, s29, s12, $0xb8;
	[tilespmem:$0x16880] =	vst v63  }
0x30: {  	_ = 	snop  }
0x31: {  	[tilespmem:s14], [sflag:$0x1] =	stream.indirect.gather [hbm4b:s7+s12], $0x80, s30, s12, $0xb8;
	[tilespmem:$0x16880] =	vst v63  }
0x32: {  	s1 =	rddreg [dreg:$0x5]  }
0x33: {  	[tilespmem:s10], [sflag:$0x2] =	stream.indirect.gather [hbm4b:s1+s31], $0x80, s20, s31, $0xb8;
	[tilespmem:$0x16880] =	vst v63  }
0x34: {  	_ =	swait.ge [sflag:s18], $0x4000  }
0x35: {  	[sflag:s18] =	ssyncset.done $0x0  }
0x36: {  	[sflag:s18] =	ssyncadd.s32 $0xFFFFC000  }
0x37: {  	[spmem:s3] =	stream.indirect.scatter.add.f32 [tilespmem:s21], [sflag:$0x3], $0x80, s16, s12, $0xb8;
	[tilespmem:$0x16880] =	vst v63  }
0x38: {  	_ =	swait.ge [sflag:s18], $0x4000  }
0x39: {  	[sflag:s18] =	ssyncset.done $0x0  }
0x3a: {  	[sflag:s18] =	ssyncadd.s32 $0xFFFFC000  }
0x3b: {  	[spmem:s3] =	stream.indirect.scatter.add.f32 [tilespmem:s19], [sflag:$0x3], $0x80, s28, s12, $0xb8;
	[tilespmem:$0x16880] =	vst v63  }
0x3c: {  	_ =	swait.ge [sflag:s18], $0x4000  }
0x3d: {  	[sflag:s18] =	ssyncset.done $0x0  }
0x3e: {  	[sflag:s18] =	ssyncadd.s32 $0xFFFFC000  }
0x3f: {  	[spmem:s3] =	stream.indirect.scatter.add.f32 [tilespmem:s17], [sflag:$0x3], $0x80, s25, s12, $0xb8;
	[tilespmem:$0x16880] =	vst v63  }
0x40: {  	_ =	swait.ge [sflag:s18], $0x4000  }
0x41: {  	[sflag:s18] =	ssyncset.done $0x0  }
0x42: {  	[sflag:s18] =	ssyncadd.s32 $0xFFFFC000  }
0x43: {  	[spmem:s3] =	stream.indirect.scatter.add.f32 [tilespmem:s15], [sflag:$0x3], $0x80, s23, s12, $0xb8;
	[tilespmem:$0x16880] =	vst v63  }
0x44: {  	_ =	swait.ge [sflag:s18], $0x4000  }
0x45: {  	[sflag:s18] =	ssyncset.done $0x0  }
0x46: {  	[sflag:s18] =	ssyncadd.s32 $0xFFFFC000  }
0x47: {  	[spmem:s3] =	stream.indirect.scatter.add.f32 [tilespmem:s14], [sflag:$0x3], $0x80, s22, s12, $0xb8;
	[tilespmem:$0x16880] =	vst v63  }
0x48: {  	_ =	swait.ge [sflag:s13], $0x4000  }
0x49: {  	[sflag:s13] =	ssyncset.done $0x0  }
0x4a: {  	[sflag:s13] =	ssyncadd.s32 $0xFFFFC000  }
0x4b: {  	_ =	swait.ge [sflag:s13], $0x4000  }
0x4c: {  	[sflag:s13] =	ssyncset.done $0x0  }
0x4d: {  	[sflag:s13] =	ssyncadd.s32 $0xFFFFC000  }
0x4e: {  	_ =	swait.ge [sflag:s13], $0x4000  }
0x4f: {  	[sflag:s13] =	ssyncset.done $0x0  }
0x50: {  	[sflag:s13] =	ssyncadd.s32 $0xFFFFC000  }
0x51: {  	_ =	swait.ge [sflag:s13], $0x4000  }
0x52: {  	[sflag:s13] =	ssyncset.done $0x0  }
0x53: {  	[sflag:s13] =	ssyncadd.s32 $0xFFFFC000  }
0x54: {  	_ =	swait.ge [sflag:s13], $0x4000  }
0x55: {  	[sflag:s13] =	ssyncset.done $0x0  }
0x56: {  	[sflag:s13] =	ssyncadd.s32 $0xFFFFC000  }
0x57: {  	[hbm:s6], [sflag:s8] =	dma.local [spmem:s9], $0x200  }
0x58: {  	_ =	swait.ge [sflag:s4], $0x200  }
0x59: {  	[sflag:s4] =	ssyncset.done $0x0  }
0x5a: {  	[sflag:s4] =	ssyncadd.s32 $0xFFFFFE00  }
0x5b: {  	p1 =	sne.s32 s0, $0x1;
	_ =	swait.ge [sflag:s11], $0x1000  }
.Ltmp1:
0x5c: {  	[sflag:s11] =	ssyncset.done $0x0;
	(pc) =	sbr.rel @!p1 .LBB2_3-.Ltmp1, $4  }
0x5d: {  	[sflag:s11] =	ssyncadd.s32 $0xFFFFF000  }
0x5e: {  	[hbm4b:s5+s2] =	stream.linear.scatter [tilespmem:s10], [sflag:$0x4], $0x1000, $0x38;
	[tilespmem:$0x16880] =	vst v63  }
0x5f: {  	s0 =	sadd.s32 $0xFFFFFFFF, s0;
	_ =	swait.ge [sflag:s4], $0x1000  }
0x60: {  	p0 =	por $0x1, $0x1;
	s1 =	rddreg [dreg:$0x7];
	[sflag:s4] =	ssyncset.done $0x0  }
.LBB2_2:
0x61: {  	[sflag:s4] =	ssyncadd.s32 $0xFFFFF000  }
0x62: {  	[tilespmem:s2], [sflag:$0x4] =	stream.linear.gather [hbm4b:s1+s2], $0x280, $0x38;
	[tilespmem:$0x16880] =	vst v63  }
0x63: {  	_ =	swait.ge [sflag:s4], $0x280  }
0x64: {  	[sflag:s4] =	ssyncset.done $0x0  }
0x65: {  	s1 =	rddreg [dreg:$0x8];
	[sflag:s4] =	ssyncadd.s32 $0xFFFFFD80  }
0x66: {  	[tilespmem:s16], [sflag:$0x4] =	stream.linear.gather [hbm4b:s1+s2], $0x280, $0x38;
	[tilespmem:$0x16880] =	vst v63  }
0x67: {  	_ =	swait.ge [sflag:s4], $0x280  }
0x68: {  	[sflag:s4] =	ssyncset.done $0x0  }
0x69: {  	[sflag:s4] =	ssyncadd.s32 $0xFFFFFD80  }
0x6a: {  	[tilespmem:s20], [sflag:$0x4] =	stream.linear.gather [hbm4b:s24+s2], $0x80, $0x38;
	[tilespmem:$0x16880] =	vst v63  }
0x6b: {  	_ =	swait.ge [sflag:s4], $0x80  }
0x6c: {  	[sflag:s4] =	ssyncset.done $0x0  }
0x6d: {  	s1 =	rddreg [dreg:$0x6];
	[sflag:s4] =	ssyncadd.s32 $0xFFFFFF80  }
0x6e: {  	[spmem:s9], [sflag:s8] =	dma.local [hbm:s1], $0x200  }
0x6f: {  	_ =	swait.ge [sflag:s4], $0x200  }
0x70: {  	[sflag:s4] =	ssyncset.done $0x0  }
0x71: {  	[sflag:s4] =	ssyncadd.s32 $0xFFFFFE00  }
0x72: {  	[tilespmem:s21], [sflag:$0x1] =	stream.indirect.gather [hbm4b:s7+s12], $0x80, s2, s12, $0xb8;
	[tilespmem:$0x16880] =	vst v63  }
0x73: {  	_ = 	snop  }
0x74: {  	[tilespmem:s19], [sflag:$0x1] =	stream.indirect.gather [hbm4b:s7+s12], $0x80, s12, s12, $0xb8;
	[tilespmem:$0x16880] =	vst v63  }
0x75: {  	_ = 	snop  }
0x76: {  	[tilespmem:s17], [sflag:$0x1] =	stream.indirect.gather [hbm4b:s7+s12], $0x80, s26, s12, $0xb8;
	[tilespmem:$0x16880] =	vst v63  }
0x77: {  	_ = 	snop  }
0x78: {  	[tilespmem:s15], [sflag:$0x1] =	stream.indirect.gather [hbm4b:s7+s12], $0x80, s29, s12, $0xb8;
	[tilespmem:$0x16880] =	vst v63  }
0x79: {  	_ = 	snop  }
0x7a: {  	[tilespmem:s14], [sflag:$0x1] =	stream.indirect.gather [hbm4b:s7+s12], $0x80, s30, s12, $0xb8;
	[tilespmem:$0x16880] =	vst v63  }
0x7b: {  	s1 =	rddreg [dreg:$0x5]  }
0x7c: {  	[tilespmem:s10], [sflag:$0x2] =	stream.indirect.gather [hbm4b:s1+s31], $0x80, s20, s31, $0xb8;
	[tilespmem:$0x16880] =	vst v63  }
0x7d: {  	_ =	swait.ge [sflag:s18], $0x4000  }
0x7e: {  	[sflag:s18] =	ssyncset.done $0x0  }
0x7f: {  	[sflag:s18] =	ssyncadd.s32 $0xFFFFC000  }
0x80: {  	[spmem:s3] =	stream.indirect.scatter.add.f32 [tilespmem:s21], [sflag:$0x3], $0x80, s16, s12, $0xb8;
	[tilespmem:$0x16880] =	vst v63  }
0x81: {  	_ =	swait.ge [sflag:s18], $0x4000  }
0x82: {  	[sflag:s18] =	ssyncset.done $0x0  }
0x83: {  	[sflag:s18] =	ssyncadd.s32 $0xFFFFC000  }
0x84: {  	[spmem:s3] =	stream.indirect.scatter.add.f32 [tilespmem:s19], [sflag:$0x3], $0x80, s28, s12, $0xb8;
	[tilespmem:$0x16880] =	vst v63  }
0x85: {  	_ =	swait.ge [sflag:s18], $0x4000  }
0x86: {  	[sflag:s18] =	ssyncset.done $0x0  }
0x87: {  	[sflag:s18] =	ssyncadd.s32 $0xFFFFC000  }
0x88: {  	[spmem:s3] =	stream.indirect.scatter.add.f32 [tilespmem:s17], [sflag:$0x3], $0x80, s25, s12, $0xb8;
	[tilespmem:$0x16880] =	vst v63  }
0x89: {  	_ =	swait.ge [sflag:s18], $0x4000  }
0x8a: {  	[sflag:s18] =	ssyncset.done $0x0  }
0x8b: {  	[sflag:s18] =	ssyncadd.s32 $0xFFFFC000  }
0x8c: {  	[spmem:s3] =	stream.indirect.scatter.add.f32 [tilespmem:s15], [sflag:$0x3], $0x80, s23, s12, $0xb8;
	[tilespmem:$0x16880] =	vst v63  }
0x8d: {  	_ =	swait.ge [sflag:s18], $0x4000  }
0x8e: {  	[sflag:s18] =	ssyncset.done $0x0  }
0x8f: {  	[sflag:s18] =	ssyncadd.s32 $0xFFFFC000  }
0x90: {  	[spmem:s3] =	stream.indirect.scatter.add.f32 [tilespmem:s14], [sflag:$0x3], $0x80, s22, s12, $0xb8;
	[tilespmem:$0x16880] =	vst v63  }
0x91: {  	_ =	swait.ge [sflag:s13], $0x4000  }
0x92: {  	[sflag:s13] =	ssyncset.done $0x0  }
0x93: {  	[sflag:s13] =	ssyncadd.s32 $0xFFFFC000  }
0x94: {  	_ =	swait.ge [sflag:s13], $0x4000  }
0x95: {  	[sflag:s13] =	ssyncset.done $0x0  }
0x96: {  	[sflag:s13] =	ssyncadd.s32 $0xFFFFC000  }
0x97: {  	_ =	swait.ge [sflag:s13], $0x4000  }
0x98: {  	[sflag:s13] =	ssyncset.done $0x0  }
0x99: {  	[sflag:s13] =	ssyncadd.s32 $0xFFFFC000  }
0x9a: {  	_ =	swait.ge [sflag:s13], $0x4000  }
0x9b: {  	[sflag:s13] =	ssyncset.done $0x0  }
0x9c: {  	[sflag:s13] =	ssyncadd.s32 $0xFFFFC000  }
0x9d: {  	_ =	swait.ge [sflag:s13], $0x4000  }
0x9e: {  	[sflag:s13] =	ssyncset.done $0x0  }
0x9f: {  	[sflag:s13] =	ssyncadd.s32 $0xFFFFC000  }
0xa0: {  	[hbm:s6], [sflag:s8] =	dma.local [spmem:s9], $0x200  }
0xa1: {  	_ =	swait.ge [sflag:s4], $0x200  }
0xa2: {  	[sflag:s4] =	ssyncset.done $0x0  }
0xa3: {  	[sflag:s4] =	ssyncadd.s32 $0xFFFFFE00  }
0xa4: {  	p1 =	sne.s32 s0, $0x1;
	_ =	swait.ge [sflag:s11], $0x1000  }
.Ltmp2:
0xa5: {  	[sflag:s11] =	ssyncset.done $0x0;
	(pc) =	sbr.rel @p1 .LBB2_2-.Ltmp2, $4  }
0xa6: {  	[sflag:s11] =	ssyncadd.s32 $0xFFFFF000  }
0xa7: {  	[hbm4b:s5+s2] =	stream.linear.scatter [tilespmem:s10], [sflag:$0x4], $0x1000, $0x38;
	[tilespmem:$0x16880] =	vst v63  }
0xa8: {  	_ =	swait.ge [sflag:s4], $0x1000  }
0xa9: {  	s0 =	sadd.s32 $0xFFFFFFFF, s0;
	s1 =	rddreg [dreg:$0x7];
	[sflag:s4] =	ssyncset.done $0x0  }
.LBB2_3:
0xaa: {  	[sflag:s4] =	ssyncadd.s32 @p0 $0xFFFFF000  }
0xab: {  	[tilespmem:s2], [sflag:$0x4] =	stream.linear.gather [hbm4b:s1+s2], $0x280, $0x38;
	[tilespmem:$0x16880] =	vst v63  }
0xac: {  	_ =	swait.ge [sflag:s4], $0x280  }
0xad: {  	[sflag:s4] =	ssyncset.done $0x0  }
0xae: {  	s0 =	rddreg [dreg:$0x8];
	[sflag:s4] =	ssyncadd.s32 $0xFFFFFD80  }
0xaf: {  	[tilespmem:s16], [sflag:$0x4] =	stream.linear.gather [hbm4b:s0+s2], $0x280, $0x38;
	[tilespmem:$0x16880] =	vst v63  }
0xb0: {  	_ =	swait.ge [sflag:s4], $0x280  }
0xb1: {  	[sflag:s4] =	ssyncset.done $0x0  }
0xb2: {  	[sflag:s4] =	ssyncadd.s32 $0xFFFFFD80  }
0xb3: {  	[tilespmem:s20], [sflag:$0x4] =	stream.linear.gather [hbm4b:s24+s2], $0x80, $0x38;
	[tilespmem:$0x16880] =	vst v63  }
0xb4: {  	_ =	swait.ge [sflag:s4], $0x80  }
0xb5: {  	[sflag:s4] =	ssyncset.done $0x0  }
0xb6: {  	s24 =	rddreg [dreg:$0x6];
	[sflag:s4] =	ssyncadd.s32 $0xFFFFFF80  }
0xb7: {  	[spmem:s9], [sflag:s8] =	dma.local [hbm:s24], $0x200  }
0xb8: {  	_ =	swait.ge [sflag:s4], $0x200  }
0xb9: {  	[sflag:s4] =	ssyncset.done $0x0  }
0xba: {  	[sflag:s4] =	ssyncadd.s32 $0xFFFFFE00  }
0xbb: {  	[tilespmem:s21], [sflag:$0x1] =	stream.indirect.gather [hbm4b:s7+s12], $0x80, s2, s12, $0xb8;
	[tilespmem:$0x16880] =	vst v63  }
0xbc: {  	_ = 	snop  }
0xbd: {  	[tilespmem:s19], [sflag:$0x1] =	stream.indirect.gather [hbm4b:s7+s12], $0x80, s12, s12, $0xb8;
	[tilespmem:$0x16880] =	vst v63  }
0xbe: {  	_ = 	snop  }
0xbf: {  	[tilespmem:s17], [sflag:$0x1] =	stream.indirect.gather [hbm4b:s7+s12], $0x80, s26, s12, $0xb8;
	[tilespmem:$0x16880] =	vst v63  }
0xc0: {  	_ = 	snop  }
0xc1: {  	[tilespmem:s15], [sflag:$0x1] =	stream.indirect.gather [hbm4b:s7+s12], $0x80, s29, s12, $0xb8;
	[tilespmem:$0x16880] =	vst v63  }
0xc2: {  	_ = 	snop  }
0xc3: {  	[tilespmem:s14], [sflag:$0x1] =	stream.indirect.gather [hbm4b:s7+s12], $0x80, s30, s12, $0xb8;
	[tilespmem:$0x16880] =	vst v63  }
0xc4: {  	s29 =	rddreg [dreg:$0x5]  }
0xc5: {  	[tilespmem:s10], [sflag:$0x2] =	stream.indirect.gather [hbm4b:s29+s31], $0x80, s20, s31, $0xb8;
	[tilespmem:$0x16880] =	vst v63  }
0xc6: {  	_ =	swait.ge [sflag:s18], $0x4000  }
0xc7: {  	[sflag:s18] =	ssyncset.done $0x0  }
0xc8: {  	[sflag:s18] =	ssyncadd.s32 $0xFFFFC000  }
0xc9: {  	[spmem:s3] =	stream.indirect.scatter.add.f32 [tilespmem:s21], [sflag:$0x3], $0x80, s16, s12, $0xb8;
	[tilespmem:$0x16880] =	vst v63  }
0xca: {  	_ =	swait.ge [sflag:s18], $0x4000  }
0xcb: {  	[sflag:s18] =	ssyncset.done $0x0  }
0xcc: {  	[sflag:s18] =	ssyncadd.s32 $0xFFFFC000  }
0xcd: {  	[spmem:s3] =	stream.indirect.scatter.add.f32 [tilespmem:s19], [sflag:$0x3], $0x80, s28, s12, $0xb8;
	[tilespmem:$0x16880] =	vst v63  }
0xce: {  	_ =	swait.ge [sflag:s18], $0x4000  }
0xcf: {  	[sflag:s18] =	ssyncset.done $0x0  }
0xd0: {  	[sflag:s18] =	ssyncadd.s32 $0xFFFFC000  }
0xd1: {  	[spmem:s3] =	stream.indirect.scatter.add.f32 [tilespmem:s17], [sflag:$0x3], $0x80, s25, s12, $0xb8;
	[tilespmem:$0x16880] =	vst v63  }
0xd2: {  	_ =	swait.ge [sflag:s18], $0x4000  }
0xd3: {  	[sflag:s18] =	ssyncset.done $0x0  }
0xd4: {  	[sflag:s18] =	ssyncadd.s32 $0xFFFFC000  }
0xd5: {  	[spmem:s3] =	stream.indirect.scatter.add.f32 [tilespmem:s15], [sflag:$0x3], $0x80, s23, s12, $0xb8;
	[tilespmem:$0x16880] =	vst v63  }
0xd6: {  	_ =	swait.ge [sflag:s18], $0x4000  }
0xd7: {  	[sflag:s18] =	ssyncset.done $0x0  }
0xd8: {  	[sflag:s18] =	ssyncadd.s32 $0xFFFFC000  }
0xd9: {  	[spmem:s3] =	stream.indirect.scatter.add.f32 [tilespmem:s14], [sflag:$0x3], $0x80, s22, s12, $0xb8;
	[tilespmem:$0x16880] =	vst v63  }
0xda: {  	_ =	swait.ge [sflag:s13], $0x4000  }
0xdb: {  	[sflag:s13] =	ssyncset.done $0x0  }
0xdc: {  	[sflag:s13] =	ssyncadd.s32 $0xFFFFC000  }
0xdd: {  	_ =	swait.ge [sflag:s13], $0x4000  }
0xde: {  	[sflag:s13] =	ssyncset.done $0x0  }
0xdf: {  	[sflag:s13] =	ssyncadd.s32 $0xFFFFC000  }
0xe0: {  	_ =	swait.ge [sflag:s13], $0x4000  }
0xe1: {  	[sflag:s13] =	ssyncset.done $0x0  }
0xe2: {  	[sflag:s13] =	ssyncadd.s32 $0xFFFFC000  }
0xe3: {  	_ =	swait.ge [sflag:s13], $0x4000  }
0xe4: {  	[sflag:s13] =	ssyncset.done $0x0  }
0xe5: {  	[sflag:s13] =	ssyncadd.s32 $0xFFFFC000  }
0xe6: {  	_ =	swait.ge [sflag:s13], $0x4000  }
0xe7: {  	[sflag:s13] =	ssyncset.done $0x0  }
0xe8: {  	[sflag:s13] =	ssyncadd.s32 $0xFFFFC000  }
0xe9: {  	[hbm:s6], [sflag:s8] =	dma.local [spmem:s9], $0x200  }
0xea: {  	_ =	swait.ge [sflag:s4], $0x200  }
0xeb: {  	[sflag:s4] =	ssyncset.done $0x0  }
0xec: {  	[sflag:s4] =	ssyncadd.s32 $0xFFFFFE00  }
0xed: {  	_ =	swait.ge [sflag:s11], $0x1000  }
0xee: {  	[sflag:s11] =	ssyncset.done $0x0  }
0xef: {  	[sflag:s11] =	ssyncadd.s32 $0xFFFFF000  }
0xf0: {  	[hbm4b:s5+s2] =	stream.linear.scatter [tilespmem:s10], [sflag:$0x4], $0x1000, $0x38;
	[tilespmem:$0x16880] =	vst v63  }
0xf1: {  	_ =	swait.ge [sflag:s4], $0x1000  }
0xf2: {  	[sflag:s4] =	ssyncset.done $0x0  }
0xf3: {  	[sflag:s4] =	ssyncadd.s32 $0xFFFFF000  }
0xf4: {  	_ =	sfence.sel $0x180000  }
0xf5: {  	[bflag:$0x0] =	sbarrier.arrive $0xFFFF  }
0xf6: {  	_ =	strace $0x90000047  }
0xf7: {  	s31 =	stileid.u32;
	[bflag:$0x2] =	sbarrier.arrive $0xFFFF  }
0xf8: {  	p0 =	sne.s32 s31, $0x0;
	s0 =	rddreg [dreg:$0x4]  }
0xf9: {  	s0 =	sadd.s32 @!p0 $0x100000, s0  }
0xfa: {  	[sflag:s0] =	ssyncadd.tile.s32 @!p0 $0x1;
	_ =	shalt  }
.Lfunc_end2:
_tile_overlayer_lowered:
.L_overlay_start_2:
0xfb: {  	(tag) =	ssettag $0x2  }
0xfc: {  	s0 =	rddreg [dreg:$0x0];
	s2 =	stileid.u32  }
0xfd: {  	s1 =	rddreg [dreg:$0x1];
	p0 =	sne.s32 s2, $0x0  }
0xfe: {  	s3 =	rddreg [dreg:$0x2];
	[bflag:$0x3] =	sbarrier.arrive $0xFFFF;
	s2 =	simm.s32 @!p0 $0x1C04  }
0xff: {  	[timem:s3], [sflag:s2] =	dma.local @!p0 [hbm:s0], s1  }
0x100: {  	s0 =	simm.s32 @!p0 $0x4  }
0x101: {  	_ =	swait.ge @!p0 [sflag:s0], s1  }
0x102: {  	s1 =	ssub.s32 @!p0 $0x0, s1;
	[sflag:s0] =	ssyncset.done @!p0 $0x0  }
0x103: {  	[sflag:s0] =	ssyncadd.s32 @!p0 s1  }
0x104: {  	[bflag:$0x3] =	sbarrier.arrive $0xFFFF  }
0x105: {  	_ =	shalt  }

</sc_bundles>
